<compile_context>
chip_gen: v7x
topology: tpu7x:2x2x1
jax: 0.10.2.dev20260603
libtpu: 0.0.44.dev20260713+nightly
codegen_flags: <defaults>
</compile_context>

<pallas_src>
import functools

import jax
import jax.numpy as jnp
from jax import lax
from jax.experimental import pallas as pl
from jax.experimental.pallas import tpu as pltpu
from jax.experimental.pallas import tpu_sc as plsc

_L = 16


@functools.lru_cache(maxsize=None)
def _build(T, S, C, K, R):
    info = plsc.get_sparse_core_info()
    NC, NS = info.num_cores, info.num_subcores
    NW = NC * NS
    TPW = T // NW
    NB = TPW // R
    G = K // _L

    mesh = plsc.VectorSubcoreMesh(core_axis_name="c", subcore_axis_name="s")

    @functools.partial(
        pl.kernel,
        mesh=mesh,
        out_type=[
            jax.ShapeDtypeStruct((T // S, S * K), jnp.float32),
            jax.ShapeDtypeStruct((T // S, S * K), jnp.float32),
        ],
        scratch_types=[pltpu.VMEM((R * C,), jnp.float32)] * 4
        + [pltpu.VMEM((R * K,), jnp.float32)] * 4
        + [
            pltpu.VMEM((K,), jnp.int32),
            pltpu.VMEM((K,), jnp.int32),
        ] + [pltpu.SemaphoreType.DMA] * 8,
        compiler_params=pltpu.CompilerParams(needs_layout_passes=False),
    )
    def k(x_hbm, ie_hbm, io_hbm, oe_hbm, oo_hbm, inbuf0, inbuf1, inbuf2, inbuf3,
          evbuf0, evbuf1, odbuf0, odbuf1, iev, iov,
          sin0, sin1, sin2, sin3, sev0, sev1, sod0, sod1):
        inbuf = [inbuf0, inbuf1, inbuf2, inbuf3]
        evbuf, odbuf = [evbuf0, evbuf1], [odbuf0, odbuf1]
        sin, sev, sod = [sin0, sin1, sin2, sin3], [sev0, sev1], [sod0, sod1]
        wid = lax.axis_index("s") * NC + lax.axis_index("c")
        t0w = wid * TPW
        pltpu.sync_copy(ie_hbm, iev)
        pltpu.sync_copy(io_hbm, iov)
        ie = [iev[pl.ds(_L * m, _L)] for m in range(G)]
        io = [iov[pl.ds(_L * m, _L)] for m in range(G)]

        def start_in(bi, s):
            t0 = t0w + bi * R
            pltpu.async_copy(x_hbm.at[pl.ds(t0 * C, R * C)], inbuf[s], sin[s])

        def wait_in(s):
            pltpu.make_async_copy(
                x_hbm.at[pl.ds(0, R * C)], inbuf[s], sin[s]).wait()

        def start_out(bi, s):
            t0 = t0w + bi * R
            row = t0 // S
            col = (t0 % S) * K
            pltpu.async_copy(evbuf[s], oe_hbm.at[row, pl.ds(col, R * K)], sev[s])
            pltpu.async_copy(odbuf[s], oo_hbm.at[row, pl.ds(col, R * K)], sod[s])

        def wait_out(s):
            pltpu.make_async_copy(
                evbuf[s], oe_hbm.at[0, pl.ds(0, R * K)], sev[s]).wait()
            pltpu.make_async_copy(
                odbuf[s], oo_hbm.at[0, pl.ds(0, R * K)], sod[s]).wait()

        def compute(si, so):
            inb, evb, odb = inbuf[si], evbuf[so], odbuf[so]

            @plsc.parallel_loop(0, R, unroll=4)
            def tok(t):
                base = t * C
                o = t * K
                for m in range(G):
                    evb[pl.ds(o + _L * m, _L)] = plsc.load_gather(
                        inb, [ie[m] + base])
                    odb[pl.ds(o + _L * m, _L)] = plsc.load_gather(
                        inb, [io[m] + base])

        start_in(0, 0)
        start_in(1, 1)
        start_in(2, 2)

        def outer(g, carry):
            for j in range(4):
                bi = 4 * g + j
                si = j
                so = j % 2

                @pl.when(bi + 3 < NB)
                def _():
                    start_in(bi + 3, (j + 3) % 4)

                wait_in(si)

                @pl.when(bi >= 2)
                def _():
                    wait_out(so)

                compute(si, so)
                start_out(bi, so)
            return carry

        lax.fori_loop(0, NB // 4, outer, 0)
        wait_out(0)
        wait_out(1)

    return k


def kernel(x, mask, mask_):
    b, s, c = x.shape
    k = c // 2
    idx = jnp.argsort(jnp.logical_not(mask), stable=True)[:k].astype(jnp.int32)
    idx_ = jnp.argsort(jnp.logical_not(mask_), stable=True)[:k].astype(jnp.int32)
    xf = x.reshape(-1)
    out, out_ = _build(b * s, s, c, k, 64)(xf, idx, idx_)
    return out, out_

# --- scband reference (transcript-rebuilt; emitter-appended) ---
"""Pipeline reference for scband-mask-18708877541755 (READ-ONLY COPY).

The authoritative reference and input builder live on the scoring server;
editing this copy changes nothing except your own understanding.
"""

import jax, jax.numpy as jnp
import numpy as np


def setup_inputs(seed: int = 0) -> dict:
    key = jax.random.key(seed)
    x = jax.random.normal(key, (64, 8192, 128), dtype=jnp.float32)
    # buffers: complementary alternating checkerboard mask over the last (channel) dim
    mask = (jnp.arange(128) % 2 == 0)
    mask_ = jnp.logical_not(mask)
    return {"x": x, "mask": mask, "mask_": mask_}


def reference(x, mask, mask_):
    # torch.masked_select(x, mask) with mask of shape [128] broadcasts over
    # the leading dims of x [B, S, 128] and returns elements in row-major
    # order; that is identical to boolean-indexing the last axis and
    # flattening. size is None in forward, so size = [batchSize, -1].
    b = x.shape[0]
    k = mask.shape[0] // 2
    idx = jnp.argsort(jnp.logical_not(mask), stable=True)[:k]
    idx_ = jnp.argsort(jnp.logical_not(mask_), stable=True)[:k]
    out = x[..., idx].reshape(b, -1)
    out_ = x[..., idx_].reshape(b, -1)
    return (out, out_)

if __name__ == "__main__":
    import jax
    _d = setup_inputs()
    print(jax.jit(kernel)(*tuple(_d.values())))

</pallas_src>

<mosaic_0001>
#map = affine_map<(d0, d1) -> (0)>
#map1 = affine_map<(d0, d1) -> (0, 0)>
module attributes {stable_mosaic.version = 14 : i64} {
  func.func @k(%arg0: i32, %arg1: i32, %arg2: memref<67108864xf32, #tpu.memory_space<hbm>>, %arg3: memref<64xi32, #tpu.memory_space<hbm>>, %arg4: memref<64xi32, #tpu.memory_space<hbm>>, %arg5: memref<64x524288xf32, #tpu.memory_space<hbm>>, %arg6: memref<64x524288xf32, #tpu.memory_space<hbm>>, %arg7: memref<8192xf32, #tpu.memory_space<vmem>>, %arg8: memref<8192xf32, #tpu.memory_space<vmem>>, %arg9: memref<8192xf32, #tpu.memory_space<vmem>>, %arg10: memref<8192xf32, #tpu.memory_space<vmem>>, %arg11: memref<4096xf32, #tpu.memory_space<vmem>>, %arg12: memref<4096xf32, #tpu.memory_space<vmem>>, %arg13: memref<4096xf32, #tpu.memory_space<vmem>>, %arg14: memref<4096xf32, #tpu.memory_space<vmem>>, %arg15: memref<64xi32, #tpu.memory_space<vmem>>, %arg16: memref<64xi32, #tpu.memory_space<vmem>>, %arg17: memref<!tpu.dma_semaphore, #tpu.memory_space<semaphore_mem>>, %arg18: memref<!tpu.dma_semaphore, #tpu.memory_space<semaphore_mem>>, %arg19: memref<!tpu.dma_semaphore, #tpu.memory_space<semaphore_mem>>, %arg20: memref<!tpu.dma_semaphore, #tpu.memory_space<semaphore_mem>>, %arg21: memref<!tpu.dma_semaphore, #tpu.memory_space<semaphore_mem>>, %arg22: memref<!tpu.dma_semaphore, #tpu.memory_space<semaphore_mem>>, %arg23: memref<!tpu.dma_semaphore, #tpu.memory_space<semaphore_mem>>, %arg24: memref<!tpu.dma_semaphore, #tpu.memory_space<semaphore_mem>>) attributes {dimension_semantics = [#tpu.dimension_semantics<core_parallel>, #tpu.dimension_semantics<subcore_parallel>], iteration_bounds = array<i64: 2, 16>, scalar_prefetch = 0 : i64, scratch_operands = 18 : i64, tpu.core_type = #tpu.core_type<sc_vector_subcore>, window_params = [{transform_indices = #map}, {transform_indices = #map}, {transform_indices = #map}, {transform_indices = #map1}, {transform_indices = #map1}]} {
    %mul3A = arith.constant 2 : i32
    %mul3A_0 = arith.muli %arg1, %mul3A : i32
    %add3A = arith.addi %mul3A_0, %arg0 : i32
    %mul3A_1 = arith.constant 16384 : i32
    %mul3A_2 = arith.muli %add3A, %mul3A_1 : i32
    "tpu.region"() ({
      %run_scoped3A = tpu.sem_alloc : memref<!tpu.dma_semaphore, #tpu.memory_space<semaphore_mem>>
      tpu.enqueue_dma source(%arg3 : memref<64xi32, #tpu.memory_space<hbm>>) target(%arg15 : memref<64xi32, #tpu.memory_space<vmem>>) target_semaphore(%run_scoped3A : memref<!tpu.dma_semaphore, #tpu.memory_space<semaphore_mem>>)
      tpu.wait_dma2 semaphore(%run_scoped3A : memref<!tpu.dma_semaphore, #tpu.memory_space<semaphore_mem>>) src(%arg3 : memref<64xi32, #tpu.memory_space<hbm>>) dst(%arg15 : memref<64xi32, #tpu.memory_space<vmem>>)
      tpu.yield
    }) : () -> ()
    "tpu.region"() ({
      %run_scoped3A = tpu.sem_alloc : memref<!tpu.dma_semaphore, #tpu.memory_space<semaphore_mem>>
      tpu.enqueue_dma source(%arg4 : memref<64xi32, #tpu.memory_space<hbm>>) target(%arg16 : memref<64xi32, #tpu.memory_space<vmem>>) target_semaphore(%run_scoped3A : memref<!tpu.dma_semaphore, #tpu.memory_space<semaphore_mem>>)
      tpu.wait_dma2 semaphore(%run_scoped3A : memref<!tpu.dma_semaphore, #tpu.memory_space<semaphore_mem>>) src(%arg4 : memref<64xi32, #tpu.memory_space<hbm>>) dst(%arg16 : memref<64xi32, #tpu.memory_space<vmem>>)
      tpu.yield
    }) : () -> ()
    %get3A = arith.constant 0 : index
    %get3A_3 = tpu.vector_load %arg15[%get3A] {strides = array<i32>} : memref<64xi32, #tpu.memory_space<vmem>>, vector<16xi32>,
    %get3A_4 = arith.constant 16 : index
    %get3A_5 = tpu.vector_load %arg15[%get3A_4] {strides = array<i32>} : memref<64xi32, #tpu.memory_space<vmem>>, vector<16xi32>,
    %get3A_6 = arith.constant 32 : index
    %get3A_7 = tpu.vector_load %arg15[%get3A_6] {strides = array<i32>} : memref<64xi32, #tpu.memory_space<vmem>>, vector<16xi32>,
    %get3A_8 = arith.constant 48 : index
    %get3A_9 = tpu.vector_load %arg15[%get3A_8] {strides = array<i32>} : memref<64xi32, #tpu.memory_space<vmem>>, vector<16xi32>,
    %get3A_10 = arith.constant 0 : index
    %get3A_11 = tpu.vector_load %arg16[%get3A_10] {strides = array<i32>} : memref<64xi32, #tpu.memory_space<vmem>>, vector<16xi32>,
    %get3A_12 = arith.constant 16 : index
    %get3A_13 = tpu.vector_load %arg16[%get3A_12] {strides = array<i32>} : memref<64xi32, #tpu.memory_space<vmem>>, vector<16xi32>,
    %get3A_14 = arith.constant 32 : index
    %get3A_15 = tpu.vector_load %arg16[%get3A_14] {strides = array<i32>} : memref<64xi32, #tpu.memory_space<vmem>>, vector<16xi32>,
    %get3A_16 = arith.constant 48 : index
    %get3A_17 = tpu.vector_load %arg16[%get3A_16] {strides = array<i32>} : memref<64xi32, #tpu.memory_space<vmem>>, vector<16xi32>,
    %add3A_18 = arith.constant 0 : i32
    %add3A_19 = arith.addi %mul3A_2, %add3A_18 : i32
    %mul3A_20 = arith.constant 128 : i32
    %mul3A_21 = arith.muli %add3A_19, %mul3A_20 : i32
    %dma_start3A = tpu.memref_slice %arg2[%mul3A_21] : memref<67108864xf32, #tpu.memory_space<hbm>> -> memref<8192xf32, #tpu.memory_space<hbm>>
    %dma_start3A_22 = tpu.memref_slice %arg2[%mul3A_21] : memref<67108864xf32, #tpu.memory_space<hbm>> -> memref<8192xf32, #tpu.memory_space<hbm>>
    tpu.enqueue_dma source(%dma_start3A_22 : memref<8192xf32, #tpu.memory_space<hbm>>) target(%arg7 : memref<8192xf32, #tpu.memory_space<vmem>>) target_semaphore(%arg17 : memref<!tpu.dma_semaphore, #tpu.memory_space<semaphore_mem>>)
    %add3A_23 = arith.constant 64 : i32
    %add3A_24 = arith.addi %mul3A_2, %add3A_23 : i32
    %mul3A_25 = arith.constant 128 : i32
    %mul3A_26 = arith.muli %add3A_24, %mul3A_25 : i32
    %dma_start3A_27 = tpu.memref_slice %arg2[%mul3A_26] : memref<67108864xf32, #tpu.memory_space<hbm>> -> memref<8192xf32, #tpu.memory_space<hbm>>
    %dma_start3A_28 = tpu.memref_slice %arg2[%mul3A_26] : memref<67108864xf32, #tpu.memory_space<hbm>> -> memref<8192xf32, #tpu.memory_space<hbm>>
    tpu.enqueue_dma source(%dma_start3A_28 : memref<8192xf32, #tpu.memory_space<hbm>>) target(%arg8 : memref<8192xf32, #tpu.memory_space<vmem>>) target_semaphore(%arg18 : memref<!tpu.dma_semaphore, #tpu.memory_space<semaphore_mem>>)
    %add3A_29 = arith.constant 128 : i32
    %add3A_30 = arith.addi %mul3A_2, %add3A_29 : i32
    %mul3A_31 = arith.constant 128 : i32
    %mul3A_32 = arith.muli %add3A_30, %mul3A_31 : i32
    %dma_start3A_33 = tpu.memref_slice %arg2[%mul3A_32] : memref<67108864xf32, #tpu.memory_space<hbm>> -> memref<8192xf32, #tpu.memory_space<hbm>>
    %dma_start3A_34 = tpu.memref_slice %arg2[%mul3A_32] : memref<67108864xf32, #tpu.memory_space<hbm>> -> memref<8192xf32, #tpu.memory_space<hbm>>
    tpu.enqueue_dma source(%dma_start3A_34 : memref<8192xf32, #tpu.memory_space<hbm>>) target(%arg9 : memref<8192xf32, #tpu.memory_space<vmem>>) target_semaphore(%arg19 : memref<!tpu.dma_semaphore, #tpu.memory_space<semaphore_mem>>)
    %scan3A = arith.constant 0 : i32
    %scan3A_35 = arith.constant 0 : i32
    %scan3A_36 = arith.constant 64 : i32
    %scan3A_37 = arith.addi %scan3A_35, %scan3A_36 : i32
    %scan3A_38 = arith.constant 1 : i32
    scf.for %scan3A_67 = %scan3A_35 to %scan3A_37 step %scan3A_38  : i32 {
      %mul3A_68 = arith.constant 4 : i32
      %mul3A_69 = arith.muli %mul3A_68, %scan3A_67 : i32
      %add3A_70 = arith.constant 0 : i32
      %add3A_71 = arith.addi %mul3A_69, %add3A_70 : i32
      %add3A_72 = arith.constant 3 : i32
      %add3A_73 = arith.addi %add3A_71, %add3A_72 : i32
      %lt3A = arith.constant 256 : i32
      %lt3A_74 = arith.cmpi slt, %add3A_73, %lt3A : i32
      %convert_element_type3A = arith.extui %lt3A_74 : i1 to i32
      %cond3A = arith.constant 0 : i32
      %cond3A_75 = arith.cmpi ne, %convert_element_type3A, %cond3A : i32
      scf.if %cond3A_75 {
        %add3A_358 = arith.constant 3 : i32
        %add3A_359 = arith.addi %add3A_71, %add3A_358 : i32
        %mul3A_360 = arith.constant 64 : i32
        %mul3A_361 = arith.muli %add3A_359, %mul3A_360 : i32
        %add3A_362 = arith.addi %mul3A_2, %mul3A_361 : i32
        %mul3A_363 = arith.constant 128 : i32
        %mul3A_364 = arith.muli %add3A_362, %mul3A_363 : i32
        %dma_start3A_365 = tpu.memref_slice %arg2[%mul3A_364] : memref<67108864xf32, #tpu.memory_space<hbm>> -> memref<8192xf32, #tpu.memory_space<hbm>>
        %dma_start3A_366 = tpu.memref_slice %arg2[%mul3A_364] : memref<67108864xf32, #tpu.memory_space<hbm>> -> memref<8192xf32, #tpu.memory_space<hbm>>
        tpu.enqueue_dma source(%dma_start3A_366 : memref<8192xf32, #tpu.memory_space<hbm>>) target(%arg10 : memref<8192xf32, #tpu.memory_space<vmem>>) target_semaphore(%arg20 : memref<!tpu.dma_semaphore, #tpu.memory_space<semaphore_mem>>)
      } else {
      }
      %dma_wait3A_76 = arith.constant 0 : i32
      %dma_wait3A_77 = tpu.memref_slice %arg2[%dma_wait3A_76] : memref<67108864xf32, #tpu.memory_space<hbm>> -> memref<8192xf32, #tpu.memory_space<hbm>>
      %dma_wait3A_78 = arith.constant 0 : i32
      %dma_wait3A_79 = tpu.memref_slice %arg2[%dma_wait3A_78] : memref<67108864xf32, #tpu.memory_space<hbm>> -> memref<8192xf32, #tpu.memory_space<hbm>>
      tpu.wait_dma2 semaphore(%arg17 : memref<!tpu.dma_semaphore, #tpu.memory_space<semaphore_mem>>) src(%dma_wait3A_79 : memref<8192xf32, #tpu.memory_space<hbm>>) dst(%arg7 : memref<8192xf32, #tpu.memory_space<vmem>>)
      %ge3A = arith.constant 2 : i32
      %ge3A_80 = arith.cmpi sge, %add3A_71, %ge3A : i32
      %convert_element_type3A_81 = arith.extui %ge3A_80 : i1 to i32
      %cond3A_82 = arith.constant 0 : i32
      %cond3A_83 = arith.cmpi ne, %convert_element_type3A_81, %cond3A_82 : i32
      scf.if %cond3A_83 {
        %dma_wait3A_358 = arith.constant 0 : i32
        %dma_wait3A_359 = arith.constant 0 : i32
        %dma_wait3A_360 = tpu.memref_slice %arg5[%dma_wait3A_358, %dma_wait3A_359] : memref<64x524288xf32, #tpu.memory_space<hbm>> -> memref<1x4096xf32, #tpu.memory_space<hbm>>
        %dma_wait3A_361 = tpu.memref_squeeze %dma_wait3A_360 : memref<1x4096xf32, #tpu.memory_space<hbm>> -> memref<4096xf32, #tpu.memory_space<hbm>>
        %dma_wait3A_362 = arith.constant 0 : i32
        %dma_wait3A_363 = tpu.memref_slice %arg5[%dma_wait3A_358, %dma_wait3A_362] : memref<64x524288xf32, #tpu.memory_space<hbm>> -> memref<1x4096xf32, #tpu.memory_space<hbm>>
        %dma_wait3A_364 = tpu.memref_squeeze %dma_wait3A_363 : memref<1x4096xf32, #tpu.memory_space<hbm>> -> memref<4096xf32, #tpu.memory_space<hbm>>
        tpu.wait_dma2 semaphore(%arg21 : memref<!tpu.dma_semaphore, #tpu.memory_space<semaphore_mem>>) src(%arg11 : memref<4096xf32, #tpu.memory_space<vmem>>) dst(%dma_wait3A_364 : memref<4096xf32, #tpu.memory_space<hbm>>)
        %dma_wait3A_365 = arith.constant 0 : i32
        %dma_wait3A_366 = arith.constant 0 : i32
        %dma_wait3A_367 = tpu.memref_slice %arg6[%dma_wait3A_365, %dma_wait3A_366] : memref<64x524288xf32, #tpu.memory_space<hbm>> -> memref<1x4096xf32, #tpu.memory_space<hbm>>
        %dma_wait3A_368 = tpu.memref_squeeze %dma_wait3A_367 : memref<1x4096xf32, #tpu.memory_space<hbm>> -> memref<4096xf32, #tpu.memory_space<hbm>>
        %dma_wait3A_369 = arith.constant 0 : i32
        %dma_wait3A_370 = tpu.memref_slice %arg6[%dma_wait3A_365, %dma_wait3A_369] : memref<64x524288xf32, #tpu.memory_space<hbm>> -> memref<1x4096xf32, #tpu.memory_space<hbm>>
        %dma_wait3A_371 = tpu.memref_squeeze %dma_wait3A_370 : memref<1x4096xf32, #tpu.memory_space<hbm>> -> memref<4096xf32, #tpu.memory_space<hbm>>
        tpu.wait_dma2 semaphore(%arg23 : memref<!tpu.dma_semaphore, #tpu.memory_space<semaphore_mem>>) src(%arg13 : memref<4096xf32, #tpu.memory_space<vmem>>) dst(%dma_wait3A_371 : memref<4096xf32, #tpu.memory_space<hbm>>)
      } else {
      }
      %parallel_loop3A = arith.constant 0 : i32
      %parallel_loop3A_84 = arith.constant 64 : i32
      %parallel_loop3A_85 = arith.constant 1 : i32
      scf.for %parallel_loop3A_358 = %parallel_loop3A to %parallel_loop3A_84 step %parallel_loop3A_85  : i32 {
        %parallel_loop3A_359 = arith.constant 128 : i32
        %parallel_loop3A_360 = arith.muli %parallel_loop3A_358, %parallel_loop3A_359 : i32
        %parallel_loop3A_361 = arith.constant 64 : i32
        %parallel_loop3A_362 = arith.muli %parallel_loop3A_358, %parallel_loop3A_361 : i32
        %parallel_loop3A_363 = vector.broadcast %parallel_loop3A_360 : i32 to vector<16xi32>
        %parallel_loop3A_364 = arith.addi %get3A_3, %parallel_loop3A_363 : vector<16xi32>
        %parallel_loop3A_365 = tpu.vector_load_idx %arg7[%parallel_loop3A_364] : memref<8192xf32, #tpu.memory_space<vmem>>[vector<16xi32>], vector<16xf32>,
        %parallel_loop3A_366 = arith.constant 0 : i32
        %parallel_loop3A_367 = arith.addi %parallel_loop3A_362, %parallel_loop3A_366 : i32
        %parallel_loop3A_368 = arith.index_cast %parallel_loop3A_367 : i32 to index
        %parallel_loop3A_369 = tpu.vector_load %arg11[%parallel_loop3A_368] {strides = array<i32>} : memref<4096xf32, #tpu.memory_space<vmem>>, vector<16xf32>,
        tpu.vector_store %arg11[%parallel_loop3A_368], %parallel_loop3A_365 {strides = array<i32>} : memref<4096xf32, #tpu.memory_space<vmem>>, vector<16xf32>,
        %parallel_loop3A_370 = vector.broadcast %parallel_loop3A_360 : i32 to vector<16xi32>
        %parallel_loop3A_371 = arith.addi %get3A_11, %parallel_loop3A_370 : vector<16xi32>
        %parallel_loop3A_372 = tpu.vector_load_idx %arg7[%parallel_loop3A_371] : memref<8192xf32, #tpu.memory_space<vmem>>[vector<16xi32>], vector<16xf32>,
        %parallel_loop3A_373 = arith.constant 0 : i32
        %parallel_loop3A_374 = arith.addi %parallel_loop3A_362, %parallel_loop3A_373 : i32
        %parallel_loop3A_375 = arith.index_cast %parallel_loop3A_374 : i32 to index
        %parallel_loop3A_376 = tpu.vector_load %arg13[%parallel_loop3A_375] {strides = array<i32>} : memref<4096xf32, #tpu.memory_space<vmem>>, vector<16xf32>,
        tpu.vector_store %arg13[%parallel_loop3A_375], %parallel_loop3A_372 {strides = array<i32>} : memref<4096xf32, #tpu.memory_space<vmem>>, vector<16xf32>,
        %parallel_loop3A_377 = vector.broadcast %parallel_loop3A_360 : i32 to vector<16xi32>
        %parallel_loop3A_378 = arith.addi %get3A_5, %parallel_loop3A_377 : vector<16xi32>
        %parallel_loop3A_379 = tpu.vector_load_idx %arg7[%parallel_loop3A_378] : memref<8192xf32, #tpu.memory_space<vmem>>[vector<16xi32>], vector<16xf32>,
        %parallel_loop3A_380 = arith.constant 16 : i32
        %parallel_loop3A_381 = arith.addi %parallel_loop3A_362, %parallel_loop3A_380 : i32
        %parallel_loop3A_382 = arith.index_cast %parallel_loop3A_381 : i32 to index
        %parallel_loop3A_383 = tpu.vector_load %arg11[%parallel_loop3A_382] {strides = array<i32>} : memref<4096xf32, #tpu.memory_space<vmem>>, vector<16xf32>,
        tpu.vector_store %arg11[%parallel_loop3A_382], %parallel_loop3A_379 {strides = array<i32>} : memref<4096xf32, #tpu.memory_space<vmem>>, vector<16xf32>,
        %parallel_loop3A_384 = vector.broadcast %parallel_loop3A_360 : i32 to vector<16xi32>
        %parallel_loop3A_385 = arith.addi %get3A_13, %parallel_loop3A_384 : vector<16xi32>
        %parallel_loop3A_386 = tpu.vector_load_idx %arg7[%parallel_loop3A_385] : memref<8192xf32, #tpu.memory_space<vmem>>[vector<16xi32>], vector<16xf32>,
        %parallel_loop3A_387 = arith.constant 16 : i32
        %parallel_loop3A_388 = arith.addi %parallel_loop3A_362, %parallel_loop3A_387 : i32
        %parallel_loop3A_389 = arith.index_cast %parallel_loop3A_388 : i32 to index
        %parallel_loop3A_390 = tpu.vector_load %arg13[%parallel_loop3A_389] {strides = array<i32>} : memref<4096xf32, #tpu.memory_space<vmem>>, vector<16xf32>,
        tpu.vector_store %arg13[%parallel_loop3A_389], %parallel_loop3A_386 {strides = array<i32>} : memref<4096xf32, #tpu.memory_space<vmem>>, vector<16xf32>,
        %parallel_loop3A_391 = vector.broadcast %parallel_loop3A_360 : i32 to vector<16xi32>
        %parallel_loop3A_392 = arith.addi %get3A_7, %parallel_loop3A_391 : vector<16xi32>
        %parallel_loop3A_393 = tpu.vector_load_idx %arg7[%parallel_loop3A_392] : memref<8192xf32, #tpu.memory_space<vmem>>[vector<16xi32>], vector<16xf32>,
        %parallel_loop3A_394 = arith.constant 32 : i32
        %parallel_loop3A_395 = arith.addi %parallel_loop3A_362, %parallel_loop3A_394 : i32
        %parallel_loop3A_396 = arith.index_cast %parallel_loop3A_395 : i32 to index
        %parallel_loop3A_397 = tpu.vector_load %arg11[%parallel_loop3A_396] {strides = array<i32>} : memref<4096xf32, #tpu.memory_space<vmem>>, vector<16xf32>,
        tpu.vector_store %arg11[%parallel_loop3A_396], %parallel_loop3A_393 {strides = array<i32>} : memref<4096xf32, #tpu.memory_space<vmem>>, vector<16xf32>,
        %parallel_loop3A_398 = vector.broadcast %parallel_loop3A_360 : i32 to vector<16xi32>
        %parallel_loop3A_399 = arith.addi %get3A_15, %parallel_loop3A_398 : vector<16xi32>
        %parallel_loop3A_400 = tpu.vector_load_idx %arg7[%parallel_loop3A_399] : memref<8192xf32, #tpu.memory_space<vmem>>[vector<16xi32>], vector<16xf32>,
        %parallel_loop3A_401 = arith.constant 32 : i32
        %parallel_loop3A_402 = arith.addi %parallel_loop3A_362, %parallel_loop3A_401 : i32
        %parallel_loop3A_403 = arith.index_cast %parallel_loop3A_402 : i32 to index
        %parallel_loop3A_404 = tpu.vector_load %arg13[%parallel_loop3A_403] {strides = array<i32>} : memref<4096xf32, #tpu.memory_space<vmem>>, vector<16xf32>,
        tpu.vector_store %arg13[%parallel_loop3A_403], %parallel_loop3A_400 {strides = array<i32>} : memref<4096xf32, #tpu.memory_space<vmem>>, vector<16xf32>,
        %parallel_loop3A_405 = vector.broadcast %parallel_loop3A_360 : i32 to vector<16xi32>
        %parallel_loop3A_406 = arith.addi %get3A_9, %parallel_loop3A_405 : vector<16xi32>
        %parallel_loop3A_407 = tpu.vector_load_idx %arg7[%parallel_loop3A_406] : memref<8192xf32, #tpu.memory_space<vmem>>[vector<16xi32>], vector<16xf32>,
        %parallel_loop3A_408 = arith.constant 48 : i32
        %parallel_loop3A_409 = arith.addi %parallel_loop3A_362, %parallel_loop3A_408 : i32
        %parallel_loop3A_410 = arith.index_cast %parallel_loop3A_409 : i32 to index
        %parallel_loop3A_411 = tpu.vector_load %arg11[%parallel_loop3A_410] {strides = array<i32>} : memref<4096xf32, #tpu.memory_space<vmem>>, vector<16xf32>,
        tpu.vector_store %arg11[%parallel_loop3A_410], %parallel_loop3A_407 {strides = array<i32>} : memref<4096xf32, #tpu.memory_space<vmem>>, vector<16xf32>,
        %parallel_loop3A_412 = vector.broadcast %parallel_loop3A_360 : i32 to vector<16xi32>
        %parallel_loop3A_413 = arith.addi %get3A_17, %parallel_loop3A_412 : vector<16xi32>
        %parallel_loop3A_414 = tpu.vector_load_idx %arg7[%parallel_loop3A_413] : memref<8192xf32, #tpu.memory_space<vmem>>[vector<16xi32>], vector<16xf32>,
        %parallel_loop3A_415 = arith.constant 48 : i32
        %parallel_loop3A_416 = arith.addi %parallel_loop3A_362, %parallel_loop3A_415 : i32
        %parallel_loop3A_417 = arith.index_cast %parallel_loop3A_416 : i32 to index
        %parallel_loop3A_418 = tpu.vector_load %arg13[%parallel_loop3A_417] {strides = array<i32>} : memref<4096xf32, #tpu.memory_space<vmem>>, vector<16xf32>,
        tpu.vector_store %arg13[%parallel_loop3A_417], %parallel_loop3A_414 {strides = array<i32>} : memref<4096xf32, #tpu.memory_space<vmem>>, vector<16xf32>,
      } {sc.loop_unroll_factor = 4 : i64, sc.parallel_access}
      %mul3A_86 = arith.constant 64 : i32
      %mul3A_87 = arith.muli %add3A_71, %mul3A_86 : i32
      %add3A_88 = arith.addi %mul3A_2, %mul3A_87 : i32
      %jit3A = arith.constant 8192 : i32
      %div3A = arith.divsi %add3A_88, %jit3A : i32
      %sign3A = arith.constant 0 : i32
      %sign3A_89 = arith.cmpi sgt, %add3A_88, %sign3A : i32
      %sign3A_90 = arith.extui %sign3A_89 : i1 to i32
      %sign3A_91 = arith.constant 0 : i32
      %sign3A_92 = arith.cmpi slt, %add3A_88, %sign3A_91 : i32
      %sign3A_93 = arith.extui %sign3A_92 : i1 to i32
      %sign3A_94 = arith.subi %sign3A_90, %sign3A_93 : i32
      %sign3A_95 = arith.constant 0 : i32
      %sign3A_96 = arith.cmpi sgt, %jit3A, %sign3A_95 : i32
      %sign3A_97 = arith.extui %sign3A_96 : i1 to i32
      %sign3A_98 = arith.constant 0 : i32
      %sign3A_99 = arith.cmpi slt, %jit3A, %sign3A_98 : i32
      %sign3A_100 = arith.extui %sign3A_99 : i1 to i32
      %sign3A_101 = arith.subi %sign3A_97, %sign3A_100 : i32
      %ne3A = arith.cmpi ne, %sign3A_94, %sign3A_101 : i32
      %rem3A = arith.remsi %add3A_88, %jit3A : i32
      %ne3A_102 = arith.constant 0 : i32
      %ne3A_103 = arith.cmpi ne, %rem3A, %ne3A_102 : i32
      %and3A = arith.andi %ne3A, %ne3A_103 : i1
      %sub3A = arith.constant 1 : i32
      %sub3A_104 = arith.subi %div3A, %sub3A : i32
      %select_n3A = arith.select %and3A, %sub3A_104, %div3A : i32
      %jit3A_105 = arith.constant 8192 : i32
      %eq3A = arith.constant 0 : i32
      %eq3A_106 = arith.cmpi eq, %jit3A_105, %eq3A : i32
      %jit3A_107 = arith.constant 1 : i32
      %select_n3A_108 = arith.select %eq3A_106, %jit3A_107, %jit3A_105 : i32
      %rem3A_109 = arith.remsi %add3A_88, %select_n3A_108 : i32
      %ne3A_110 = arith.constant 0 : i32
      %ne3A_111 = arith.cmpi ne, %rem3A_109, %ne3A_110 : i32
      %lt3A_112 = arith.constant 0 : i32
      %lt3A_113 = arith.cmpi slt, %rem3A_109, %lt3A_112 : i32
      %lt3A_114 = arith.constant 0 : i32
      %lt3A_115 = arith.cmpi slt, %select_n3A_108, %lt3A_114 : i32
      %ne3A_116 = arith.xori %lt3A_113, %lt3A_115 : i1
      %and3A_117 = arith.andi %ne3A_116, %ne3A_111 : i1
      %add3A_118 = arith.addi %rem3A_109, %select_n3A_108 : i32
      %select_n3A_119 = arith.select %and3A_117, %add3A_118, %rem3A_109 : i32
      %mul3A_120 = arith.constant 64 : i32
      %mul3A_121 = arith.muli %select_n3A_119, %mul3A_120 : i32
      %dma_start3A_122 = tpu.memref_slice %arg5[%select_n3A, %mul3A_121] : memref<64x524288xf32, #tpu.memory_space<hbm>> -> memref<1x4096xf32, #tpu.memory_space<hbm>>
      %dma_start3A_123 = tpu.memref_squeeze %dma_start3A_122 : memref<1x4096xf32, #tpu.memory_space<hbm>> -> memref<4096xf32, #tpu.memory_space<hbm>>
      %dma_start3A_124 = tpu.memref_slice %arg5[%select_n3A, %mul3A_121] : memref<64x524288xf32, #tpu.memory_space<hbm>> -> memref<1x4096xf32, #tpu.memory_space<hbm>>
      %dma_start3A_125 = tpu.memref_squeeze %dma_start3A_124 : memref<1x4096xf32, #tpu.memory_space<hbm>> -> memref<4096xf32, #tpu.memory_space<hbm>>
      tpu.enqueue_dma source(%arg11 : memref<4096xf32, #tpu.memory_space<vmem>>) target(%dma_start3A_125 : memref<4096xf32, #tpu.memory_space<hbm>>) target_semaphore(%arg21 : memref<!tpu.dma_semaphore, #tpu.memory_space<semaphore_mem>>)
      %dma_start3A_126 = tpu.memref_slice %arg6[%select_n3A, %mul3A_121] : memref<64x524288xf32, #tpu.memory_space<hbm>> -> memref<1x4096xf32, #tpu.memory_space<hbm>>
      %dma_start3A_127 = tpu.memref_squeeze %dma_start3A_126 : memref<1x4096xf32, #tpu.memory_space<hbm>> -> memref<4096xf32, #tpu.memory_space<hbm>>
      %dma_start3A_128 = tpu.memref_slice %arg6[%select_n3A, %mul3A_121] : memref<64x524288xf32, #tpu.memory_space<hbm>> -> memref<1x4096xf32, #tpu.memory_space<hbm>>
      %dma_start3A_129 = tpu.memref_squeeze %dma_start3A_128 : memref<1x4096xf32, #tpu.memory_space<hbm>> -> memref<4096xf32, #tpu.memory_space<hbm>>
      tpu.enqueue_dma source(%arg13 : memref<4096xf32, #tpu.memory_space<vmem>>) target(%dma_start3A_129 : memref<4096xf32, #tpu.memory_space<hbm>>) target_semaphore(%arg23 : memref<!tpu.dma_semaphore, #tpu.memory_space<semaphore_mem>>)
      %mul3A_130 = arith.constant 4 : i32
      %mul3A_131 = arith.muli %mul3A_130, %scan3A_67 : i32
      %add3A_132 = arith.constant 1 : i32
      %add3A_133 = arith.addi %mul3A_131, %add3A_132 : i32
      %add3A_134 = arith.constant 3 : i32
      %add3A_135 = arith.addi %add3A_133, %add3A_134 : i32
      %lt3A_136 = arith.constant 256 : i32
      %lt3A_137 = arith.cmpi slt, %add3A_135, %lt3A_136 : i32
      %convert_element_type3A_138 = arith.extui %lt3A_137 : i1 to i32
      %cond3A_139 = arith.constant 0 : i32
      %cond3A_140 = arith.cmpi ne, %convert_element_type3A_138, %cond3A_139 : i32
      scf.if %cond3A_140 {
        %add3A_358 = arith.constant 3 : i32
        %add3A_359 = arith.addi %add3A_133, %add3A_358 : i32
        %mul3A_360 = arith.constant 64 : i32
        %mul3A_361 = arith.muli %add3A_359, %mul3A_360 : i32
        %add3A_362 = arith.addi %mul3A_2, %mul3A_361 : i32
        %mul3A_363 = arith.constant 128 : i32
        %mul3A_364 = arith.muli %add3A_362, %mul3A_363 : i32
        %dma_start3A_365 = tpu.memref_slice %arg2[%mul3A_364] : memref<67108864xf32, #tpu.memory_space<hbm>> -> memref<8192xf32, #tpu.memory_space<hbm>>
        %dma_start3A_366 = tpu.memref_slice %arg2[%mul3A_364] : memref<67108864xf32, #tpu.memory_space<hbm>> -> memref<8192xf32, #tpu.memory_space<hbm>>
        tpu.enqueue_dma source(%dma_start3A_366 : memref<8192xf32, #tpu.memory_space<hbm>>) target(%arg7 : memref<8192xf32, #tpu.memory_space<vmem>>) target_semaphore(%arg17 : memref<!tpu.dma_semaphore, #tpu.memory_space<semaphore_mem>>)
      } else {
      }
      %dma_wait3A_141 = arith.constant 0 : i32
      %dma_wait3A_142 = tpu.memref_slice %arg2[%dma_wait3A_141] : memref<67108864xf32, #tpu.memory_space<hbm>> -> memref<8192xf32, #tpu.memory_space<hbm>>
      %dma_wait3A_143 = arith.constant 0 : i32
      %dma_wait3A_144 = tpu.memref_slice %arg2[%dma_wait3A_143] : memref<67108864xf32, #tpu.memory_space<hbm>> -> memref<8192xf32, #tpu.memory_space<hbm>>
      tpu.wait_dma2 semaphore(%arg18 : memref<!tpu.dma_semaphore, #tpu.memory_space<semaphore_mem>>) src(%dma_wait3A_144 : memref<8192xf32, #tpu.memory_space<hbm>>) dst(%arg8 : memref<8192xf32, #tpu.memory_space<vmem>>)
      %ge3A_145 = arith.constant 2 : i32
      %ge3A_146 = arith.cmpi sge, %add3A_133, %ge3A_145 : i32
      %convert_element_type3A_147 = arith.extui %ge3A_146 : i1 to i32
      %cond3A_148 = arith.constant 0 : i32
      %cond3A_149 = arith.cmpi ne, %convert_element_type3A_147, %cond3A_148 : i32
      scf.if %cond3A_149 {
        %dma_wait3A_358 = arith.constant 0 : i32
        %dma_wait3A_359 = arith.constant 0 : i32
        %dma_wait3A_360 = tpu.memref_slice %arg5[%dma_wait3A_358, %dma_wait3A_359] : memref<64x524288xf32, #tpu.memory_space<hbm>> -> memref<1x4096xf32, #tpu.memory_space<hbm>>
        %dma_wait3A_361 = tpu.memref_squeeze %dma_wait3A_360 : memref<1x4096xf32, #tpu.memory_space<hbm>> -> memref<4096xf32, #tpu.memory_space<hbm>>
        %dma_wait3A_362 = arith.constant 0 : i32
        %dma_wait3A_363 = tpu.memref_slice %arg5[%dma_wait3A_358, %dma_wait3A_362] : memref<64x524288xf32, #tpu.memory_space<hbm>> -> memref<1x4096xf32, #tpu.memory_space<hbm>>
        %dma_wait3A_364 = tpu.memref_squeeze %dma_wait3A_363 : memref<1x4096xf32, #tpu.memory_space<hbm>> -> memref<4096xf32, #tpu.memory_space<hbm>>
        tpu.wait_dma2 semaphore(%arg22 : memref<!tpu.dma_semaphore, #tpu.memory_space<semaphore_mem>>) src(%arg12 : memref<4096xf32, #tpu.memory_space<vmem>>) dst(%dma_wait3A_364 : memref<4096xf32, #tpu.memory_space<hbm>>)
        %dma_wait3A_365 = arith.constant 0 : i32
        %dma_wait3A_366 = arith.constant 0 : i32
        %dma_wait3A_367 = tpu.memref_slice %arg6[%dma_wait3A_365, %dma_wait3A_366] : memref<64x524288xf32, #tpu.memory_space<hbm>> -> memref<1x4096xf32, #tpu.memory_space<hbm>>
        %dma_wait3A_368 = tpu.memref_squeeze %dma_wait3A_367 : memref<1x4096xf32, #tpu.memory_space<hbm>> -> memref<4096xf32, #tpu.memory_space<hbm>>
        %dma_wait3A_369 = arith.constant 0 : i32
        %dma_wait3A_370 = tpu.memref_slice %arg6[%dma_wait3A_365, %dma_wait3A_369] : memref<64x524288xf32, #tpu.memory_space<hbm>> -> memref<1x4096xf32, #tpu.memory_space<hbm>>
        %dma_wait3A_371 = tpu.memref_squeeze %dma_wait3A_370 : memref<1x4096xf32, #tpu.memory_space<hbm>> -> memref<4096xf32, #tpu.memory_space<hbm>>
        tpu.wait_dma2 semaphore(%arg24 : memref<!tpu.dma_semaphore, #tpu.memory_space<semaphore_mem>>) src(%arg14 : memref<4096xf32, #tpu.memory_space<vmem>>) dst(%dma_wait3A_371 : memref<4096xf32, #tpu.memory_space<hbm>>)
      } else {
      }
      %parallel_loop3A_150 = arith.constant 0 : i32
      %parallel_loop3A_151 = arith.constant 64 : i32
      %parallel_loop3A_152 = arith.constant 1 : i32
      scf.for %parallel_loop3A_358 = %parallel_loop3A_150 to %parallel_loop3A_151 step %parallel_loop3A_152  : i32 {
        %parallel_loop3A_359 = arith.constant 128 : i32
        %parallel_loop3A_360 = arith.muli %parallel_loop3A_358, %parallel_loop3A_359 : i32
        %parallel_loop3A_361 = arith.constant 64 : i32
        %parallel_loop3A_362 = arith.muli %parallel_loop3A_358, %parallel_loop3A_361 : i32
        %parallel_loop3A_363 = vector.broadcast %parallel_loop3A_360 : i32 to vector<16xi32>
        %parallel_loop3A_364 = arith.addi %get3A_3, %parallel_loop3A_363 : vector<16xi32>
        %parallel_loop3A_365 = tpu.vector_load_idx %arg8[%parallel_loop3A_364] : memref<8192xf32, #tpu.memory_space<vmem>>[vector<16xi32>], vector<16xf32>,
        %parallel_loop3A_366 = arith.constant 0 : i32
        %parallel_loop3A_367 = arith.addi %parallel_loop3A_362, %parallel_loop3A_366 : i32
        %parallel_loop3A_368 = arith.index_cast %parallel_loop3A_367 : i32 to index
        %parallel_loop3A_369 = tpu.vector_load %arg12[%parallel_loop3A_368] {strides = array<i32>} : memref<4096xf32, #tpu.memory_space<vmem>>, vector<16xf32>,
        tpu.vector_store %arg12[%parallel_loop3A_368], %parallel_loop3A_365 {strides = array<i32>} : memref<4096xf32, #tpu.memory_space<vmem>>, vector<16xf32>,
        %parallel_loop3A_370 = vector.broadcast %parallel_loop3A_360 : i32 to vector<16xi32>
        %parallel_loop3A_371 = arith.addi %get3A_11, %parallel_loop3A_370 : vector<16xi32>
        %parallel_loop3A_372 = tpu.vector_load_idx %arg8[%parallel_loop3A_371] : memref<8192xf32, #tpu.memory_space<vmem>>[vector<16xi32>], vector<16xf32>,
        %parallel_loop3A_373 = arith.constant 0 : i32
        %parallel_loop3A_374 = arith.addi %parallel_loop3A_362, %parallel_loop3A_373 : i32
        %parallel_loop3A_375 = arith.index_cast %parallel_loop3A_374 : i32 to index
        %parallel_loop3A_376 = tpu.vector_load %arg14[%parallel_loop3A_375] {strides = array<i32>} : memref<4096xf32, #tpu.memory_space<vmem>>, vector<16xf32>,
        tpu.vector_store %arg14[%parallel_loop3A_375], %parallel_loop3A_372 {strides = array<i32>} : memref<4096xf32, #tpu.memory_space<vmem>>, vector<16xf32>,
        %parallel_loop3A_377 = vector.broadcast %parallel_loop3A_360 : i32 to vector<16xi32>
        %parallel_loop3A_378 = arith.addi %get3A_5, %parallel_loop3A_377 : vector<16xi32>
        %parallel_loop3A_379 = tpu.vector_load_idx %arg8[%parallel_loop3A_378] : memref<8192xf32, #tpu.memory_space<vmem>>[vector<16xi32>], vector<16xf32>,
        %parallel_loop3A_380 = arith.constant 16 : i32
        %parallel_loop3A_381 = arith.addi %parallel_loop3A_362, %parallel_loop3A_380 : i32
        %parallel_loop3A_382 = arith.index_cast %parallel_loop3A_381 : i32 to index
        %parallel_loop3A_383 = tpu.vector_load %arg12[%parallel_loop3A_382] {strides = array<i32>} : memref<4096xf32, #tpu.memory_space<vmem>>, vector<16xf32>,
        tpu.vector_store %arg12[%parallel_loop3A_382], %parallel_loop3A_379 {strides = array<i32>} : memref<4096xf32, #tpu.memory_space<vmem>>, vector<16xf32>,
        %parallel_loop3A_384 = vector.broadcast %parallel_loop3A_360 : i32 to vector<16xi32>
        %parallel_loop3A_385 = arith.addi %get3A_13, %parallel_loop3A_384 : vector<16xi32>
        %parallel_loop3A_386 = tpu.vector_load_idx %arg8[%parallel_loop3A_385] : memref<8192xf32, #tpu.memory_space<vmem>>[vector<16xi32>], vector<16xf32>,
        %parallel_loop3A_387 = arith.constant 16 : i32
        %parallel_loop3A_388 = arith.addi %parallel_loop3A_362, %parallel_loop3A_387 : i32
        %parallel_loop3A_389 = arith.index_cast %parallel_loop3A_388 : i32 to index
        %parallel_loop3A_390 = tpu.vector_load %arg14[%parallel_loop3A_389] {strides = array<i32>} : memref<4096xf32, #tpu.memory_space<vmem>>, vector<16xf32>,
        tpu.vector_store %arg14[%parallel_loop3A_389], %parallel_loop3A_386 {strides = array<i32>} : memref<4096xf32, #tpu.memory_space<vmem>>, vector<16xf32>,
        %parallel_loop3A_391 = vector.broadcast %parallel_loop3A_360 : i32 to vector<16xi32>
        %parallel_loop3A_392 = arith.addi %get3A_7, %parallel_loop3A_391 : vector<16xi32>
        %parallel_loop3A_393 = tpu.vector_load_idx %arg8[%parallel_loop3A_392] : memref<8192xf32, #tpu.memory_space<vmem>>[vector<16xi32>], vector<16xf32>,
        %parallel_loop3A_394 = arith.constant 32 : i32
        %parallel_loop3A_395 = arith.addi %parallel_loop3A_362, %parallel_loop3A_394 : i32
        %parallel_loop3A_396 = arith.index_cast %parallel_loop3A_395 : i32 to index
        %parallel_loop3A_397 = tpu.vector_load %arg12[%parallel_loop3A_396] {strides = array<i32>} : memref<4096xf32, #tpu.memory_space<vmem>>, vector<16xf32>,
        tpu.vector_store %arg12[%parallel_loop3A_396], %parallel_loop3A_393 {strides = array<i32>} : memref<4096xf32, #tpu.memory_space<vmem>>, vector<16xf32>,
        %parallel_loop3A_398 = vector.broadcast %parallel_loop3A_360 : i32 to vector<16xi32>
        %parallel_loop3A_399 = arith.addi %get3A_15, %parallel_loop3A_398 : vector<16xi32>
        %parallel_loop3A_400 = tpu.vector_load_idx %arg8[%parallel_loop3A_399] : memref<8192xf32, #tpu.memory_space<vmem>>[vector<16xi32>], vector<16xf32>,
        %parallel_loop3A_401 = arith.constant 32 : i32
        %parallel_loop3A_402 = arith.addi %parallel_loop3A_362, %parallel_loop3A_401 : i32
        %parallel_loop3A_403 = arith.index_cast %parallel_loop3A_402 : i32 to index
        %parallel_loop3A_404 = tpu.vector_load %arg14[%parallel_loop3A_403] {strides = array<i32>} : memref<4096xf32, #tpu.memory_space<vmem>>, vector<16xf32>,
        tpu.vector_store %arg14[%parallel_loop3A_403], %parallel_loop3A_400 {strides = array<i32>} : memref<4096xf32, #tpu.memory_space<vmem>>, vector<16xf32>,
        %parallel_loop3A_405 = vector.broadcast %parallel_loop3A_360 : i32 to vector<16xi32>
        %parallel_loop3A_406 = arith.addi %get3A_9, %parallel_loop3A_405 : vector<16xi32>
        %parallel_loop3A_407 = tpu.vector_load_idx %arg8[%parallel_loop3A_406] : memref<8192xf32, #tpu.memory_space<vmem>>[vector<16xi32>], vector<16xf32>,
        %parallel_loop3A_408 = arith.constant 48 : i32
        %parallel_loop3A_409 = arith.addi %parallel_loop3A_362, %parallel_loop3A_408 : i32
        %parallel_loop3A_410 = arith.index_cast %parallel_loop3A_409 : i32 to index
        %parallel_loop3A_411 = tpu.vector_load %arg12[%parallel_loop3A_410] {strides = array<i32>} : memref<4096xf32, #tpu.memory_space<vmem>>, vector<16xf32>,
        tpu.vector_store %arg12[%parallel_loop3A_410], %parallel_loop3A_407 {strides = array<i32>} : memref<4096xf32, #tpu.memory_space<vmem>>, vector<16xf32>,
        %parallel_loop3A_412 = vector.broadcast %parallel_loop3A_360 : i32 to vector<16xi32>
        %parallel_loop3A_413 = arith.addi %get3A_17, %parallel_loop3A_412 : vector<16xi32>
        %parallel_loop3A_414 = tpu.vector_load_idx %arg8[%parallel_loop3A_413] : memref<8192xf32, #tpu.memory_space<vmem>>[vector<16xi32>], vector<16xf32>,
        %parallel_loop3A_415 = arith.constant 48 : i32
        %parallel_loop3A_416 = arith.addi %parallel_loop3A_362, %parallel_loop3A_415 : i32
        %parallel_loop3A_417 = arith.index_cast %parallel_loop3A_416 : i32 to index
        %parallel_loop3A_418 = tpu.vector_load %arg14[%parallel_loop3A_417] {strides = array<i32>} : memref<4096xf32, #tpu.memory_space<vmem>>, vector<16xf32>,
        tpu.vector_store %arg14[%parallel_loop3A_417], %parallel_loop3A_414 {strides = array<i32>} : memref<4096xf32, #tpu.memory_space<vmem>>, vector<16xf32>,
      } {sc.loop_unroll_factor = 4 : i64, sc.parallel_access}
      %mul3A_153 = arith.constant 64 : i32
      %mul3A_154 = arith.muli %add3A_133, %mul3A_153 : i32
      %add3A_155 = arith.addi %mul3A_2, %mul3A_154 : i32
      %jit3A_156 = arith.constant 8192 : i32
      %div3A_157 = arith.divsi %add3A_155, %jit3A_156 : i32
      %sign3A_158 = arith.constant 0 : i32
      %sign3A_159 = arith.cmpi sgt, %add3A_155, %sign3A_158 : i32
      %sign3A_160 = arith.extui %sign3A_159 : i1 to i32
      %sign3A_161 = arith.constant 0 : i32
      %sign3A_162 = arith.cmpi slt, %add3A_155, %sign3A_161 : i32
      %sign3A_163 = arith.extui %sign3A_162 : i1 to i32
      %sign3A_164 = arith.subi %sign3A_160, %sign3A_163 : i32
      %sign3A_165 = arith.constant 0 : i32
      %sign3A_166 = arith.cmpi sgt, %jit3A_156, %sign3A_165 : i32
      %sign3A_167 = arith.extui %sign3A_166 : i1 to i32
      %sign3A_168 = arith.constant 0 : i32
      %sign3A_169 = arith.cmpi slt, %jit3A_156, %sign3A_168 : i32
      %sign3A_170 = arith.extui %sign3A_169 : i1 to i32
      %sign3A_171 = arith.subi %sign3A_167, %sign3A_170 : i32
      %ne3A_172 = arith.cmpi ne, %sign3A_164, %sign3A_171 : i32
      %rem3A_173 = arith.remsi %add3A_155, %jit3A_156 : i32
      %ne3A_174 = arith.constant 0 : i32
      %ne3A_175 = arith.cmpi ne, %rem3A_173, %ne3A_174 : i32
      %and3A_176 = arith.andi %ne3A_172, %ne3A_175 : i1
      %sub3A_177 = arith.constant 1 : i32
      %sub3A_178 = arith.subi %div3A_157, %sub3A_177 : i32
      %select_n3A_179 = arith.select %and3A_176, %sub3A_178, %div3A_157 : i32
      %jit3A_180 = arith.constant 8192 : i32
      %eq3A_181 = arith.constant 0 : i32
      %eq3A_182 = arith.cmpi eq, %jit3A_180, %eq3A_181 : i32
      %jit3A_183 = arith.constant 1 : i32
      %select_n3A_184 = arith.select %eq3A_182, %jit3A_183, %jit3A_180 : i32
      %rem3A_185 = arith.remsi %add3A_155, %select_n3A_184 : i32
      %ne3A_186 = arith.constant 0 : i32
      %ne3A_187 = arith.cmpi ne, %rem3A_185, %ne3A_186 : i32
      %lt3A_188 = arith.constant 0 : i32
      %lt3A_189 = arith.cmpi slt, %rem3A_185, %lt3A_188 : i32
      %lt3A_190 = arith.constant 0 : i32
      %lt3A_191 = arith.cmpi slt, %select_n3A_184, %lt3A_190 : i32
      %ne3A_192 = arith.xori %lt3A_189, %lt3A_191 : i1
      %and3A_193 = arith.andi %ne3A_192, %ne3A_187 : i1
      %add3A_194 = arith.addi %rem3A_185, %select_n3A_184 : i32
      %select_n3A_195 = arith.select %and3A_193, %add3A_194, %rem3A_185 : i32
      %mul3A_196 = arith.constant 64 : i32
      %mul3A_197 = arith.muli %select_n3A_195, %mul3A_196 : i32
      %dma_start3A_198 = tpu.memref_slice %arg5[%select_n3A_179, %mul3A_197] : memref<64x524288xf32, #tpu.memory_space<hbm>> -> memref<1x4096xf32, #tpu.memory_space<hbm>>
      %dma_start3A_199 = tpu.memref_squeeze %dma_start3A_198 : memref<1x4096xf32, #tpu.memory_space<hbm>> -> memref<4096xf32, #tpu.memory_space<hbm>>
      %dma_start3A_200 = tpu.memref_slice %arg5[%select_n3A_179, %mul3A_197] : memref<64x524288xf32, #tpu.memory_space<hbm>> -> memref<1x4096xf32, #tpu.memory_space<hbm>>
      %dma_start3A_201 = tpu.memref_squeeze %dma_start3A_200 : memref<1x4096xf32, #tpu.memory_space<hbm>> -> memref<4096xf32, #tpu.memory_space<hbm>>
      tpu.enqueue_dma source(%arg12 : memref<4096xf32, #tpu.memory_space<vmem>>) target(%dma_start3A_201 : memref<4096xf32, #tpu.memory_space<hbm>>) target_semaphore(%arg22 : memref<!tpu.dma_semaphore, #tpu.memory_space<semaphore_mem>>)
      %dma_start3A_202 = tpu.memref_slice %arg6[%select_n3A_179, %mul3A_197] : memref<64x524288xf32, #tpu.memory_space<hbm>> -> memref<1x4096xf32, #tpu.memory_space<hbm>>
      %dma_start3A_203 = tpu.memref_squeeze %dma_start3A_202 : memref<1x4096xf32, #tpu.memory_space<hbm>> -> memref<4096xf32, #tpu.memory_space<hbm>>
      %dma_start3A_204 = tpu.memref_slice %arg6[%select_n3A_179, %mul3A_197] : memref<64x524288xf32, #tpu.memory_space<hbm>> -> memref<1x4096xf32, #tpu.memory_space<hbm>>
      %dma_start3A_205 = tpu.memref_squeeze %dma_start3A_204 : memref<1x4096xf32, #tpu.memory_space<hbm>> -> memref<4096xf32, #tpu.memory_space<hbm>>
      tpu.enqueue_dma source(%arg14 : memref<4096xf32, #tpu.memory_space<vmem>>) target(%dma_start3A_205 : memref<4096xf32, #tpu.memory_space<hbm>>) target_semaphore(%arg24 : memref<!tpu.dma_semaphore, #tpu.memory_space<semaphore_mem>>)
      %mul3A_206 = arith.constant 4 : i32
      %mul3A_207 = arith.muli %mul3A_206, %scan3A_67 : i32
      %add3A_208 = arith.constant 2 : i32
      %add3A_209 = arith.addi %mul3A_207, %add3A_208 : i32
      %add3A_210 = arith.constant 3 : i32
      %add3A_211 = arith.addi %add3A_209, %add3A_210 : i32
      %lt3A_212 = arith.constant 256 : i32
      %lt3A_213 = arith.cmpi slt, %add3A_211, %lt3A_212 : i32
      %convert_element_type3A_214 = arith.extui %lt3A_213 : i1 to i32
      %cond3A_215 = arith.constant 0 : i32
      %cond3A_216 = arith.cmpi ne, %convert_element_type3A_214, %cond3A_215 : i32
      scf.if %cond3A_216 {
        %add3A_358 = arith.constant 3 : i32
        %add3A_359 = arith.addi %add3A_209, %add3A_358 : i32
        %mul3A_360 = arith.constant 64 : i32
        %mul3A_361 = arith.muli %add3A_359, %mul3A_360 : i32
        %add3A_362 = arith.addi %mul3A_2, %mul3A_361 : i32
        %mul3A_363 = arith.constant 128 : i32
        %mul3A_364 = arith.muli %add3A_362, %mul3A_363 : i32
        %dma_start3A_365 = tpu.memref_slice %arg2[%mul3A_364] : memref<67108864xf32, #tpu.memory_space<hbm>> -> memref<8192xf32, #tpu.memory_space<hbm>>
        %dma_start3A_366 = tpu.memref_slice %arg2[%mul3A_364] : memref<67108864xf32, #tpu.memory_space<hbm>> -> memref<8192xf32, #tpu.memory_space<hbm>>
        tpu.enqueue_dma source(%dma_start3A_366 : memref<8192xf32, #tpu.memory_space<hbm>>) target(%arg8 : memref<8192xf32, #tpu.memory_space<vmem>>) target_semaphore(%arg18 : memref<!tpu.dma_semaphore, #tpu.memory_space<semaphore_mem>>)
      } else {
      }
      %dma_wait3A_217 = arith.constant 0 : i32
      %dma_wait3A_218 = tpu.memref_slice %arg2[%dma_wait3A_217] : memref<67108864xf32, #tpu.memory_space<hbm>> -> memref<8192xf32, #tpu.memory_space<hbm>>
      %dma_wait3A_219 = arith.constant 0 : i32
      %dma_wait3A_220 = tpu.memref_slice %arg2[%dma_wait3A_219] : memref<67108864xf32, #tpu.memory_space<hbm>> -> memref<8192xf32, #tpu.memory_space<hbm>>
      tpu.wait_dma2 semaphore(%arg19 : memref<!tpu.dma_semaphore, #tpu.memory_space<semaphore_mem>>) src(%dma_wait3A_220 : memref<8192xf32, #tpu.memory_space<hbm>>) dst(%arg9 : memref<8192xf32, #tpu.memory_space<vmem>>)
      %ge3A_221 = arith.constant 2 : i32
      %ge3A_222 = arith.cmpi sge, %add3A_209, %ge3A_221 : i32
      %convert_element_type3A_223 = arith.extui %ge3A_222 : i1 to i32
      %cond3A_224 = arith.constant 0 : i32
      %cond3A_225 = arith.cmpi ne, %convert_element_type3A_223, %cond3A_224 : i32
      scf.if %cond3A_225 {
        %dma_wait3A_358 = arith.constant 0 : i32
        %dma_wait3A_359 = arith.constant 0 : i32
        %dma_wait3A_360 = tpu.memref_slice %arg5[%dma_wait3A_358, %dma_wait3A_359] : memref<64x524288xf32, #tpu.memory_space<hbm>> -> memref<1x4096xf32, #tpu.memory_space<hbm>>
        %dma_wait3A_361 = tpu.memref_squeeze %dma_wait3A_360 : memref<1x4096xf32, #tpu.memory_space<hbm>> -> memref<4096xf32, #tpu.memory_space<hbm>>
        %dma_wait3A_362 = arith.constant 0 : i32
        %dma_wait3A_363 = tpu.memref_slice %arg5[%dma_wait3A_358, %dma_wait3A_362] : memref<64x524288xf32, #tpu.memory_space<hbm>> -> memref<1x4096xf32, #tpu.memory_space<hbm>>
        %dma_wait3A_364 = tpu.memref_squeeze %dma_wait3A_363 : memref<1x4096xf32, #tpu.memory_space<hbm>> -> memref<4096xf32, #tpu.memory_space<hbm>>
        tpu.wait_dma2 semaphore(%arg21 : memref<!tpu.dma_semaphore, #tpu.memory_space<semaphore_mem>>) src(%arg11 : memref<4096xf32, #tpu.memory_space<vmem>>) dst(%dma_wait3A_364 : memref<4096xf32, #tpu.memory_space<hbm>>)
        %dma_wait3A_365 = arith.constant 0 : i32
        %dma_wait3A_366 = arith.constant 0 : i32
        %dma_wait3A_367 = tpu.memref_slice %arg6[%dma_wait3A_365, %dma_wait3A_366] : memref<64x524288xf32, #tpu.memory_space<hbm>> -> memref<1x4096xf32, #tpu.memory_space<hbm>>
        %dma_wait3A_368 = tpu.memref_squeeze %dma_wait3A_367 : memref<1x4096xf32, #tpu.memory_space<hbm>> -> memref<4096xf32, #tpu.memory_space<hbm>>
        %dma_wait3A_369 = arith.constant 0 : i32
        %dma_wait3A_370 = tpu.memref_slice %arg6[%dma_wait3A_365, %dma_wait3A_369] : memref<64x524288xf32, #tpu.memory_space<hbm>> -> memref<1x4096xf32, #tpu.memory_space<hbm>>
        %dma_wait3A_371 = tpu.memref_squeeze %dma_wait3A_370 : memref<1x4096xf32, #tpu.memory_space<hbm>> -> memref<4096xf32, #tpu.memory_space<hbm>>
        tpu.wait_dma2 semaphore(%arg23 : memref<!tpu.dma_semaphore, #tpu.memory_space<semaphore_mem>>) src(%arg13 : memref<4096xf32, #tpu.memory_space<vmem>>) dst(%dma_wait3A_371 : memref<4096xf32, #tpu.memory_space<hbm>>)
      } else {
      }
      %parallel_loop3A_226 = arith.constant 0 : i32
      %parallel_loop3A_227 = arith.constant 64 : i32
      %parallel_loop3A_228 = arith.constant 1 : i32
      scf.for %parallel_loop3A_358 = %parallel_loop3A_226 to %parallel_loop3A_227 step %parallel_loop3A_228  : i32 {
        %parallel_loop3A_359 = arith.constant 128 : i32
        %parallel_loop3A_360 = arith.muli %parallel_loop3A_358, %parallel_loop3A_359 : i32
        %parallel_loop3A_361 = arith.constant 64 : i32
        %parallel_loop3A_362 = arith.muli %parallel_loop3A_358, %parallel_loop3A_361 : i32
        %parallel_loop3A_363 = vector.broadcast %parallel_loop3A_360 : i32 to vector<16xi32>
        %parallel_loop3A_364 = arith.addi %get3A_3, %parallel_loop3A_363 : vector<16xi32>
        %parallel_loop3A_365 = tpu.vector_load_idx %arg9[%parallel_loop3A_364] : memref<8192xf32, #tpu.memory_space<vmem>>[vector<16xi32>], vector<16xf32>,
        %parallel_loop3A_366 = arith.constant 0 : i32
        %parallel_loop3A_367 = arith.addi %parallel_loop3A_362, %parallel_loop3A_366 : i32
        %parallel_loop3A_368 = arith.index_cast %parallel_loop3A_367 : i32 to index
        %parallel_loop3A_369 = tpu.vector_load %arg11[%parallel_loop3A_368] {strides = array<i32>} : memref<4096xf32, #tpu.memory_space<vmem>>, vector<16xf32>,
        tpu.vector_store %arg11[%parallel_loop3A_368], %parallel_loop3A_365 {strides = array<i32>} : memref<4096xf32, #tpu.memory_space<vmem>>, vector<16xf32>,
        %parallel_loop3A_370 = vector.broadcast %parallel_loop3A_360 : i32 to vector<16xi32>
        %parallel_loop3A_371 = arith.addi %get3A_11, %parallel_loop3A_370 : vector<16xi32>
        %parallel_loop3A_372 = tpu.vector_load_idx %arg9[%parallel_loop3A_371] : memref<8192xf32, #tpu.memory_space<vmem>>[vector<16xi32>], vector<16xf32>,
        %parallel_loop3A_373 = arith.constant 0 : i32
        %parallel_loop3A_374 = arith.addi %parallel_loop3A_362, %parallel_loop3A_373 : i32
        %parallel_loop3A_375 = arith.index_cast %parallel_loop3A_374 : i32 to index
        %parallel_loop3A_376 = tpu.vector_load %arg13[%parallel_loop3A_375] {strides = array<i32>} : memref<4096xf32, #tpu.memory_space<vmem>>, vector<16xf32>,
        tpu.vector_store %arg13[%parallel_loop3A_375], %parallel_loop3A_372 {strides = array<i32>} : memref<4096xf32, #tpu.memory_space<vmem>>, vector<16xf32>,
        %parallel_loop3A_377 = vector.broadcast %parallel_loop3A_360 : i32 to vector<16xi32>
        %parallel_loop3A_378 = arith.addi %get3A_5, %parallel_loop3A_377 : vector<16xi32>
        %parallel_loop3A_379 = tpu.vector_load_idx %arg9[%parallel_loop3A_378] : memref<8192xf32, #tpu.memory_space<vmem>>[vector<16xi32>], vector<16xf32>,
        %parallel_loop3A_380 = arith.constant 16 : i32
        %parallel_loop3A_381 = arith.addi %parallel_loop3A_362, %parallel_loop3A_380 : i32
        %parallel_loop3A_382 = arith.index_cast %parallel_loop3A_381 : i32 to index
        %parallel_loop3A_383 = tpu.vector_load %arg11[%parallel_loop3A_382] {strides = array<i32>} : memref<4096xf32, #tpu.memory_space<vmem>>, vector<16xf32>,
        tpu.vector_store %arg11[%parallel_loop3A_382], %parallel_loop3A_379 {strides = array<i32>} : memref<4096xf32, #tpu.memory_space<vmem>>, vector<16xf32>,
        %parallel_loop3A_384 = vector.broadcast %parallel_loop3A_360 : i32 to vector<16xi32>
        %parallel_loop3A_385 = arith.addi %get3A_13, %parallel_loop3A_384 : vector<16xi32>
        %parallel_loop3A_386 = tpu.vector_load_idx %arg9[%parallel_loop3A_385] : memref<8192xf32, #tpu.memory_space<vmem>>[vector<16xi32>], vector<16xf32>,
        %parallel_loop3A_387 = arith.constant 16 : i32
        %parallel_loop3A_388 = arith.addi %parallel_loop3A_362, %parallel_loop3A_387 : i32
        %parallel_loop3A_389 = arith.index_cast %parallel_loop3A_388 : i32 to index
        %parallel_loop3A_390 = tpu.vector_load %arg13[%parallel_loop3A_389] {strides = array<i32>} : memref<4096xf32, #tpu.memory_space<vmem>>, vector<16xf32>,
        tpu.vector_store %arg13[%parallel_loop3A_389], %parallel_loop3A_386 {strides = array<i32>} : memref<4096xf32, #tpu.memory_space<vmem>>, vector<16xf32>,
        %parallel_loop3A_391 = vector.broadcast %parallel_loop3A_360 : i32 to vector<16xi32>
        %parallel_loop3A_392 = arith.addi %get3A_7, %parallel_loop3A_391 : vector<16xi32>
        %parallel_loop3A_393 = tpu.vector_load_idx %arg9[%parallel_loop3A_392] : memref<8192xf32, #tpu.memory_space<vmem>>[vector<16xi32>], vector<16xf32>,
        %parallel_loop3A_394 = arith.constant 32 : i32
        %parallel_loop3A_395 = arith.addi %parallel_loop3A_362, %parallel_loop3A_394 : i32
        %parallel_loop3A_396 = arith.index_cast %parallel_loop3A_395 : i32 to index
        %parallel_loop3A_397 = tpu.vector_load %arg11[%parallel_loop3A_396] {strides = array<i32>} : memref<4096xf32, #tpu.memory_space<vmem>>, vector<16xf32>,
        tpu.vector_store %arg11[%parallel_loop3A_396], %parallel_loop3A_393 {strides = array<i32>} : memref<4096xf32, #tpu.memory_space<vmem>>, vector<16xf32>,
        %parallel_loop3A_398 = vector.broadcast %parallel_loop3A_360 : i32 to vector<16xi32>
        %parallel_loop3A_399 = arith.addi %get3A_15, %parallel_loop3A_398 : vector<16xi32>
        %parallel_loop3A_400 = tpu.vector_load_idx %arg9[%parallel_loop3A_399] : memref<8192xf32, #tpu.memory_space<vmem>>[vector<16xi32>], vector<16xf32>,
        %parallel_loop3A_401 = arith.constant 32 : i32
        %parallel_loop3A_402 = arith.addi %parallel_loop3A_362, %parallel_loop3A_401 : i32
        %parallel_loop3A_403 = arith.index_cast %parallel_loop3A_402 : i32 to index
        %parallel_loop3A_404 = tpu.vector_load %arg13[%parallel_loop3A_403] {strides = array<i32>} : memref<4096xf32, #tpu.memory_space<vmem>>, vector<16xf32>,
        tpu.vector_store %arg13[%parallel_loop3A_403], %parallel_loop3A_400 {strides = array<i32>} : memref<4096xf32, #tpu.memory_space<vmem>>, vector<16xf32>,
        %parallel_loop3A_405 = vector.broadcast %parallel_loop3A_360 : i32 to vector<16xi32>
        %parallel_loop3A_406 = arith.addi %get3A_9, %parallel_loop3A_405 : vector<16xi32>
        %parallel_loop3A_407 = tpu.vector_load_idx %arg9[%parallel_loop3A_406] : memref<8192xf32, #tpu.memory_space<vmem>>[vector<16xi32>], vector<16xf32>,
        %parallel_loop3A_408 = arith.constant 48 : i32
        %parallel_loop3A_409 = arith.addi %parallel_loop3A_362, %parallel_loop3A_408 : i32
        %parallel_loop3A_410 = arith.index_cast %parallel_loop3A_409 : i32 to index
        %parallel_loop3A_411 = tpu.vector_load %arg11[%parallel_loop3A_410] {strides = array<i32>} : memref<4096xf32, #tpu.memory_space<vmem>>, vector<16xf32>,
        tpu.vector_store %arg11[%parallel_loop3A_410], %parallel_loop3A_407 {strides = array<i32>} : memref<4096xf32, #tpu.memory_space<vmem>>, vector<16xf32>,
        %parallel_loop3A_412 = vector.broadcast %parallel_loop3A_360 : i32 to vector<16xi32>
        %parallel_loop3A_413 = arith.addi %get3A_17, %parallel_loop3A_412 : vector<16xi32>
        %parallel_loop3A_414 = tpu.vector_load_idx %arg9[%parallel_loop3A_413] : memref<8192xf32, #tpu.memory_space<vmem>>[vector<16xi32>], vector<16xf32>,
        %parallel_loop3A_415 = arith.constant 48 : i32
        %parallel_loop3A_416 = arith.addi %parallel_loop3A_362, %parallel_loop3A_415 : i32
        %parallel_loop3A_417 = arith.index_cast %parallel_loop3A_416 : i32 to index
        %parallel_loop3A_418 = tpu.vector_load %arg13[%parallel_loop3A_417] {strides = array<i32>} : memref<4096xf32, #tpu.memory_space<vmem>>, vector<16xf32>,
        tpu.vector_store %arg13[%parallel_loop3A_417], %parallel_loop3A_414 {strides = array<i32>} : memref<4096xf32, #tpu.memory_space<vmem>>, vector<16xf32>,
      } {sc.loop_unroll_factor = 4 : i64, sc.parallel_access}
      %mul3A_229 = arith.constant 64 : i32
      %mul3A_230 = arith.muli %add3A_209, %mul3A_229 : i32
      %add3A_231 = arith.addi %mul3A_2, %mul3A_230 : i32
      %jit3A_232 = arith.constant 8192 : i32
      %div3A_233 = arith.divsi %add3A_231, %jit3A_232 : i32
      %sign3A_234 = arith.constant 0 : i32
      %sign3A_235 = arith.cmpi sgt, %add3A_231, %sign3A_234 : i32
      %sign3A_236 = arith.extui %sign3A_235 : i1 to i32
      %sign3A_237 = arith.constant 0 : i32
      %sign3A_238 = arith.cmpi slt, %add3A_231, %sign3A_237 : i32
      %sign3A_239 = arith.extui %sign3A_238 : i1 to i32
      %sign3A_240 = arith.subi %sign3A_236, %sign3A_239 : i32
      %sign3A_241 = arith.constant 0 : i32
      %sign3A_242 = arith.cmpi sgt, %jit3A_232, %sign3A_241 : i32
      %sign3A_243 = arith.extui %sign3A_242 : i1 to i32
      %sign3A_244 = arith.constant 0 : i32
      %sign3A_245 = arith.cmpi slt, %jit3A_232, %sign3A_244 : i32
      %sign3A_246 = arith.extui %sign3A_245 : i1 to i32
      %sign3A_247 = arith.subi %sign3A_243, %sign3A_246 : i32
      %ne3A_248 = arith.cmpi ne, %sign3A_240, %sign3A_247 : i32
      %rem3A_249 = arith.remsi %add3A_231, %jit3A_232 : i32
      %ne3A_250 = arith.constant 0 : i32
      %ne3A_251 = arith.cmpi ne, %rem3A_249, %ne3A_250 : i32
      %and3A_252 = arith.andi %ne3A_248, %ne3A_251 : i1
      %sub3A_253 = arith.constant 1 : i32
      %sub3A_254 = arith.subi %div3A_233, %sub3A_253 : i32
      %select_n3A_255 = arith.select %and3A_252, %sub3A_254, %div3A_233 : i32
      %jit3A_256 = arith.constant 8192 : i32
      %eq3A_257 = arith.constant 0 : i32
      %eq3A_258 = arith.cmpi eq, %jit3A_256, %eq3A_257 : i32
      %jit3A_259 = arith.constant 1 : i32
      %select_n3A_260 = arith.select %eq3A_258, %jit3A_259, %jit3A_256 : i32
      %rem3A_261 = arith.remsi %add3A_231, %select_n3A_260 : i32
      %ne3A_262 = arith.constant 0 : i32
      %ne3A_263 = arith.cmpi ne, %rem3A_261, %ne3A_262 : i32
      %lt3A_264 = arith.constant 0 : i32
      %lt3A_265 = arith.cmpi slt, %rem3A_261, %lt3A_264 : i32
      %lt3A_266 = arith.constant 0 : i32
      %lt3A_267 = arith.cmpi slt, %select_n3A_260, %lt3A_266 : i32
      %ne3A_268 = arith.xori %lt3A_265, %lt3A_267 : i1
      %and3A_269 = arith.andi %ne3A_268, %ne3A_263 : i1
      %add3A_270 = arith.addi %rem3A_261, %select_n3A_260 : i32
      %select_n3A_271 = arith.select %and3A_269, %add3A_270, %rem3A_261 : i32
      %mul3A_272 = arith.constant 64 : i32
      %mul3A_273 = arith.muli %select_n3A_271, %mul3A_272 : i32
      %dma_start3A_274 = tpu.memref_slice %arg5[%select_n3A_255, %mul3A_273] : memref<64x524288xf32, #tpu.memory_space<hbm>> -> memref<1x4096xf32, #tpu.memory_space<hbm>>
      %dma_start3A_275 = tpu.memref_squeeze %dma_start3A_274 : memref<1x4096xf32, #tpu.memory_space<hbm>> -> memref<4096xf32, #tpu.memory_space<hbm>>
      %dma_start3A_276 = tpu.memref_slice %arg5[%select_n3A_255, %mul3A_273] : memref<64x524288xf32, #tpu.memory_space<hbm>> -> memref<1x4096xf32, #tpu.memory_space<hbm>>
      %dma_start3A_277 = tpu.memref_squeeze %dma_start3A_276 : memref<1x4096xf32, #tpu.memory_space<hbm>> -> memref<4096xf32, #tpu.memory_space<hbm>>
      tpu.enqueue_dma source(%arg11 : memref<4096xf32, #tpu.memory_space<vmem>>) target(%dma_start3A_277 : memref<4096xf32, #tpu.memory_space<hbm>>) target_semaphore(%arg21 : memref<!tpu.dma_semaphore, #tpu.memory_space<semaphore_mem>>)
      %dma_start3A_278 = tpu.memref_slice %arg6[%select_n3A_255, %mul3A_273] : memref<64x524288xf32, #tpu.memory_space<hbm>> -> memref<1x4096xf32, #tpu.memory_space<hbm>>
      %dma_start3A_279 = tpu.memref_squeeze %dma_start3A_278 : memref<1x4096xf32, #tpu.memory_space<hbm>> -> memref<4096xf32, #tpu.memory_space<hbm>>
      %dma_start3A_280 = tpu.memref_slice %arg6[%select_n3A_255, %mul3A_273] : memref<64x524288xf32, #tpu.memory_space<hbm>> -> memref<1x4096xf32, #tpu.memory_space<hbm>>
      %dma_start3A_281 = tpu.memref_squeeze %dma_start3A_280 : memref<1x4096xf32, #tpu.memory_space<hbm>> -> memref<4096xf32, #tpu.memory_space<hbm>>
      tpu.enqueue_dma source(%arg13 : memref<4096xf32, #tpu.memory_space<vmem>>) target(%dma_start3A_281 : memref<4096xf32, #tpu.memory_space<hbm>>) target_semaphore(%arg23 : memref<!tpu.dma_semaphore, #tpu.memory_space<semaphore_mem>>)
      %mul3A_282 = arith.constant 4 : i32
      %mul3A_283 = arith.muli %mul3A_282, %scan3A_67 : i32
      %add3A_284 = arith.constant 3 : i32
      %add3A_285 = arith.addi %mul3A_283, %add3A_284 : i32
      %add3A_286 = arith.constant 3 : i32
      %add3A_287 = arith.addi %add3A_285, %add3A_286 : i32
      %lt3A_288 = arith.constant 256 : i32
      %lt3A_289 = arith.cmpi slt, %add3A_287, %lt3A_288 : i32
      %convert_element_type3A_290 = arith.extui %lt3A_289 : i1 to i32
      %cond3A_291 = arith.constant 0 : i32
      %cond3A_292 = arith.cmpi ne, %convert_element_type3A_290, %cond3A_291 : i32
      scf.if %cond3A_292 {
        %add3A_358 = arith.constant 3 : i32
        %add3A_359 = arith.addi %add3A_285, %add3A_358 : i32
        %mul3A_360 = arith.constant 64 : i32
        %mul3A_361 = arith.muli %add3A_359, %mul3A_360 : i32
        %add3A_362 = arith.addi %mul3A_2, %mul3A_361 : i32
        %mul3A_363 = arith.constant 128 : i32
        %mul3A_364 = arith.muli %add3A_362, %mul3A_363 : i32
        %dma_start3A_365 = tpu.memref_slice %arg2[%mul3A_364] : memref<67108864xf32, #tpu.memory_space<hbm>> -> memref<8192xf32, #tpu.memory_space<hbm>>
        %dma_start3A_366 = tpu.memref_slice %arg2[%mul3A_364] : memref<67108864xf32, #tpu.memory_space<hbm>> -> memref<8192xf32, #tpu.memory_space<hbm>>
        tpu.enqueue_dma source(%dma_start3A_366 : memref<8192xf32, #tpu.memory_space<hbm>>) target(%arg9 : memref<8192xf32, #tpu.memory_space<vmem>>) target_semaphore(%arg19 : memref<!tpu.dma_semaphore, #tpu.memory_space<semaphore_mem>>)
      } else {
      }
      %dma_wait3A_293 = arith.constant 0 : i32
      %dma_wait3A_294 = tpu.memref_slice %arg2[%dma_wait3A_293] : memref<67108864xf32, #tpu.memory_space<hbm>> -> memref<8192xf32, #tpu.memory_space<hbm>>
      %dma_wait3A_295 = arith.constant 0 : i32
      %dma_wait3A_296 = tpu.memref_slice %arg2[%dma_wait3A_295] : memref<67108864xf32, #tpu.memory_space<hbm>> -> memref<8192xf32, #tpu.memory_space<hbm>>
      tpu.wait_dma2 semaphore(%arg20 : memref<!tpu.dma_semaphore, #tpu.memory_space<semaphore_mem>>) src(%dma_wait3A_296 : memref<8192xf32, #tpu.memory_space<hbm>>) dst(%arg10 : memref<8192xf32, #tpu.memory_space<vmem>>)
      %ge3A_297 = arith.constant 2 : i32
      %ge3A_298 = arith.cmpi sge, %add3A_285, %ge3A_297 : i32
      %convert_element_type3A_299 = arith.extui %ge3A_298 : i1 to i32
      %cond3A_300 = arith.constant 0 : i32
      %cond3A_301 = arith.cmpi ne, %convert_element_type3A_299, %cond3A_300 : i32
      scf.if %cond3A_301 {
        %dma_wait3A_358 = arith.constant 0 : i32
        %dma_wait3A_359 = arith.constant 0 : i32
        %dma_wait3A_360 = tpu.memref_slice %arg5[%dma_wait3A_358, %dma_wait3A_359] : memref<64x524288xf32, #tpu.memory_space<hbm>> -> memref<1x4096xf32, #tpu.memory_space<hbm>>
        %dma_wait3A_361 = tpu.memref_squeeze %dma_wait3A_360 : memref<1x4096xf32, #tpu.memory_space<hbm>> -> memref<4096xf32, #tpu.memory_space<hbm>>
        %dma_wait3A_362 = arith.constant 0 : i32
        %dma_wait3A_363 = tpu.memref_slice %arg5[%dma_wait3A_358, %dma_wait3A_362] : memref<64x524288xf32, #tpu.memory_space<hbm>> -> memref<1x4096xf32, #tpu.memory_space<hbm>>
        %dma_wait3A_364 = tpu.memref_squeeze %dma_wait3A_363 : memref<1x4096xf32, #tpu.memory_space<hbm>> -> memref<4096xf32, #tpu.memory_space<hbm>>
        tpu.wait_dma2 semaphore(%arg22 : memref<!tpu.dma_semaphore, #tpu.memory_space<semaphore_mem>>) src(%arg12 : memref<4096xf32, #tpu.memory_space<vmem>>) dst(%dma_wait3A_364 : memref<4096xf32, #tpu.memory_space<hbm>>)
        %dma_wait3A_365 = arith.constant 0 : i32
        %dma_wait3A_366 = arith.constant 0 : i32
        %dma_wait3A_367 = tpu.memref_slice %arg6[%dma_wait3A_365, %dma_wait3A_366] : memref<64x524288xf32, #tpu.memory_space<hbm>> -> memref<1x4096xf32, #tpu.memory_space<hbm>>
        %dma_wait3A_368 = tpu.memref_squeeze %dma_wait3A_367 : memref<1x4096xf32, #tpu.memory_space<hbm>> -> memref<4096xf32, #tpu.memory_space<hbm>>
        %dma_wait3A_369 = arith.constant 0 : i32
        %dma_wait3A_370 = tpu.memref_slice %arg6[%dma_wait3A_365, %dma_wait3A_369] : memref<64x524288xf32, #tpu.memory_space<hbm>> -> memref<1x4096xf32, #tpu.memory_space<hbm>>
        %dma_wait3A_371 = tpu.memref_squeeze %dma_wait3A_370 : memref<1x4096xf32, #tpu.memory_space<hbm>> -> memref<4096xf32, #tpu.memory_space<hbm>>
        tpu.wait_dma2 semaphore(%arg24 : memref<!tpu.dma_semaphore, #tpu.memory_space<semaphore_mem>>) src(%arg14 : memref<4096xf32, #tpu.memory_space<vmem>>) dst(%dma_wait3A_371 : memref<4096xf32, #tpu.memory_space<hbm>>)
      } else {
      }
      %parallel_loop3A_302 = arith.constant 0 : i32
      %parallel_loop3A_303 = arith.constant 64 : i32
      %parallel_loop3A_304 = arith.constant 1 : i32
      scf.for %parallel_loop3A_358 = %parallel_loop3A_302 to %parallel_loop3A_303 step %parallel_loop3A_304  : i32 {
        %parallel_loop3A_359 = arith.constant 128 : i32
        %parallel_loop3A_360 = arith.muli %parallel_loop3A_358, %parallel_loop3A_359 : i32
        %parallel_loop3A_361 = arith.constant 64 : i32
        %parallel_loop3A_362 = arith.muli %parallel_loop3A_358, %parallel_loop3A_361 : i32
        %parallel_loop3A_363 = vector.broadcast %parallel_loop3A_360 : i32 to vector<16xi32>
        %parallel_loop3A_364 = arith.addi %get3A_3, %parallel_loop3A_363 : vector<16xi32>
        %parallel_loop3A_365 = tpu.vector_load_idx %arg10[%parallel_loop3A_364] : memref<8192xf32, #tpu.memory_space<vmem>>[vector<16xi32>], vector<16xf32>,
        %parallel_loop3A_366 = arith.constant 0 : i32
        %parallel_loop3A_367 = arith.addi %parallel_loop3A_362, %parallel_loop3A_366 : i32
        %parallel_loop3A_368 = arith.index_cast %parallel_loop3A_367 : i32 to index
        %parallel_loop3A_369 = tpu.vector_load %arg12[%parallel_loop3A_368] {strides = array<i32>} : memref<4096xf32, #tpu.memory_space<vmem>>, vector<16xf32>,
        tpu.vector_store %arg12[%parallel_loop3A_368], %parallel_loop3A_365 {strides = array<i32>} : memref<4096xf32, #tpu.memory_space<vmem>>, vector<16xf32>,
        %parallel_loop3A_370 = vector.broadcast %parallel_loop3A_360 : i32 to vector<16xi32>
        %parallel_loop3A_371 = arith.addi %get3A_11, %parallel_loop3A_370 : vector<16xi32>
        %parallel_loop3A_372 = tpu.vector_load_idx %arg10[%parallel_loop3A_371] : memref<8192xf32, #tpu.memory_space<vmem>>[vector<16xi32>], vector<16xf32>,
        %parallel_loop3A_373 = arith.constant 0 : i32
        %parallel_loop3A_374 = arith.addi %parallel_loop3A_362, %parallel_loop3A_373 : i32
        %parallel_loop3A_375 = arith.index_cast %parallel_loop3A_374 : i32 to index
        %parallel_loop3A_376 = tpu.vector_load %arg14[%parallel_loop3A_375] {strides = array<i32>} : memref<4096xf32, #tpu.memory_space<vmem>>, vector<16xf32>,
        tpu.vector_store %arg14[%parallel_loop3A_375], %parallel_loop3A_372 {strides = array<i32>} : memref<4096xf32, #tpu.memory_space<vmem>>, vector<16xf32>,
        %parallel_loop3A_377 = vector.broadcast %parallel_loop3A_360 : i32 to vector<16xi32>
        %parallel_loop3A_378 = arith.addi %get3A_5, %parallel_loop3A_377 : vector<16xi32>
        %parallel_loop3A_379 = tpu.vector_load_idx %arg10[%parallel_loop3A_378] : memref<8192xf32, #tpu.memory_space<vmem>>[vector<16xi32>], vector<16xf32>,
        %parallel_loop3A_380 = arith.constant 16 : i32
        %parallel_loop3A_381 = arith.addi %parallel_loop3A_362, %parallel_loop3A_380 : i32
        %parallel_loop3A_382 = arith.index_cast %parallel_loop3A_381 : i32 to index
        %parallel_loop3A_383 = tpu.vector_load %arg12[%parallel_loop3A_382] {strides = array<i32>} : memref<4096xf32, #tpu.memory_space<vmem>>, vector<16xf32>,
        tpu.vector_store %arg12[%parallel_loop3A_382], %parallel_loop3A_379 {strides = array<i32>} : memref<4096xf32, #tpu.memory_space<vmem>>, vector<16xf32>,
        %parallel_loop3A_384 = vector.broadcast %parallel_loop3A_360 : i32 to vector<16xi32>
        %parallel_loop3A_385 = arith.addi %get3A_13, %parallel_loop3A_384 : vector<16xi32>
        %parallel_loop3A_386 = tpu.vector_load_idx %arg10[%parallel_loop3A_385] : memref<8192xf32, #tpu.memory_space<vmem>>[vector<16xi32>], vector<16xf32>,
        %parallel_loop3A_387 = arith.constant 16 : i32
        %parallel_loop3A_388 = arith.addi %parallel_loop3A_362, %parallel_loop3A_387 : i32
        %parallel_loop3A_389 = arith.index_cast %parallel_loop3A_388 : i32 to index
        %parallel_loop3A_390 = tpu.vector_load %arg14[%parallel_loop3A_389] {strides = array<i32>} : memref<4096xf32, #tpu.memory_space<vmem>>, vector<16xf32>,
        tpu.vector_store %arg14[%parallel_loop3A_389], %parallel_loop3A_386 {strides = array<i32>} : memref<4096xf32, #tpu.memory_space<vmem>>, vector<16xf32>,
        %parallel_loop3A_391 = vector.broadcast %parallel_loop3A_360 : i32 to vector<16xi32>
        %parallel_loop3A_392 = arith.addi %get3A_7, %parallel_loop3A_391 : vector<16xi32>
        %parallel_loop3A_393 = tpu.vector_load_idx %arg10[%parallel_loop3A_392] : memref<8192xf32, #tpu.memory_space<vmem>>[vector<16xi32>], vector<16xf32>,
        %parallel_loop3A_394 = arith.constant 32 : i32
        %parallel_loop3A_395 = arith.addi %parallel_loop3A_362, %parallel_loop3A_394 : i32
        %parallel_loop3A_396 = arith.index_cast %parallel_loop3A_395 : i32 to index
        %parallel_loop3A_397 = tpu.vector_load %arg12[%parallel_loop3A_396] {strides = array<i32>} : memref<4096xf32, #tpu.memory_space<vmem>>, vector<16xf32>,
        tpu.vector_store %arg12[%parallel_loop3A_396], %parallel_loop3A_393 {strides = array<i32>} : memref<4096xf32, #tpu.memory_space<vmem>>, vector<16xf32>,
        %parallel_loop3A_398 = vector.broadcast %parallel_loop3A_360 : i32 to vector<16xi32>
        %parallel_loop3A_399 = arith.addi %get3A_15, %parallel_loop3A_398 : vector<16xi32>
        %parallel_loop3A_400 = tpu.vector_load_idx %arg10[%parallel_loop3A_399] : memref<8192xf32, #tpu.memory_space<vmem>>[vector<16xi32>], vector<16xf32>,
        %parallel_loop3A_401 = arith.constant 32 : i32
        %parallel_loop3A_402 = arith.addi %parallel_loop3A_362, %parallel_loop3A_401 : i32
        %parallel_loop3A_403 = arith.index_cast %parallel_loop3A_402 : i32 to index
        %parallel_loop3A_404 = tpu.vector_load %arg14[%parallel_loop3A_403] {strides = array<i32>} : memref<4096xf32, #tpu.memory_space<vmem>>, vector<16xf32>,
        tpu.vector_store %arg14[%parallel_loop3A_403], %parallel_loop3A_400 {strides = array<i32>} : memref<4096xf32, #tpu.memory_space<vmem>>, vector<16xf32>,
        %parallel_loop3A_405 = vector.broadcast %parallel_loop3A_360 : i32 to vector<16xi32>
        %parallel_loop3A_406 = arith.addi %get3A_9, %parallel_loop3A_405 : vector<16xi32>
        %parallel_loop3A_407 = tpu.vector_load_idx %arg10[%parallel_loop3A_406] : memref<8192xf32, #tpu.memory_space<vmem>>[vector<16xi32>], vector<16xf32>,
        %parallel_loop3A_408 = arith.constant 48 : i32
        %parallel_loop3A_409 = arith.addi %parallel_loop3A_362, %parallel_loop3A_408 : i32
        %parallel_loop3A_410 = arith.index_cast %parallel_loop3A_409 : i32 to index
        %parallel_loop3A_411 = tpu.vector_load %arg12[%parallel_loop3A_410] {strides = array<i32>} : memref<4096xf32, #tpu.memory_space<vmem>>, vector<16xf32>,
        tpu.vector_store %arg12[%parallel_loop3A_410], %parallel_loop3A_407 {strides = array<i32>} : memref<4096xf32, #tpu.memory_space<vmem>>, vector<16xf32>,
        %parallel_loop3A_412 = vector.broadcast %parallel_loop3A_360 : i32 to vector<16xi32>
        %parallel_loop3A_413 = arith.addi %get3A_17, %parallel_loop3A_412 : vector<16xi32>
        %parallel_loop3A_414 = tpu.vector_load_idx %arg10[%parallel_loop3A_413] : memref<8192xf32, #tpu.memory_space<vmem>>[vector<16xi32>], vector<16xf32>,
        %parallel_loop3A_415 = arith.constant 48 : i32
        %parallel_loop3A_416 = arith.addi %parallel_loop3A_362, %parallel_loop3A_415 : i32
        %parallel_loop3A_417 = arith.index_cast %parallel_loop3A_416 : i32 to index
        %parallel_loop3A_418 = tpu.vector_load %arg14[%parallel_loop3A_417] {strides = array<i32>} : memref<4096xf32, #tpu.memory_space<vmem>>, vector<16xf32>,
        tpu.vector_store %arg14[%parallel_loop3A_417], %parallel_loop3A_414 {strides = array<i32>} : memref<4096xf32, #tpu.memory_space<vmem>>, vector<16xf32>,
      } {sc.loop_unroll_factor = 4 : i64, sc.parallel_access}
      %mul3A_305 = arith.constant 64 : i32
      %mul3A_306 = arith.muli %add3A_285, %mul3A_305 : i32
      %add3A_307 = arith.addi %mul3A_2, %mul3A_306 : i32
      %jit3A_308 = arith.constant 8192 : i32
      %div3A_309 = arith.divsi %add3A_307, %jit3A_308 : i32
      %sign3A_310 = arith.constant 0 : i32
      %sign3A_311 = arith.cmpi sgt, %add3A_307, %sign3A_310 : i32
      %sign3A_312 = arith.extui %sign3A_311 : i1 to i32
      %sign3A_313 = arith.constant 0 : i32
      %sign3A_314 = arith.cmpi slt, %add3A_307, %sign3A_313 : i32
      %sign3A_315 = arith.extui %sign3A_314 : i1 to i32
      %sign3A_316 = arith.subi %sign3A_312, %sign3A_315 : i32
      %sign3A_317 = arith.constant 0 : i32
      %sign3A_318 = arith.cmpi sgt, %jit3A_308, %sign3A_317 : i32
      %sign3A_319 = arith.extui %sign3A_318 : i1 to i32
      %sign3A_320 = arith.constant 0 : i32
      %sign3A_321 = arith.cmpi slt, %jit3A_308, %sign3A_320 : i32
      %sign3A_322 = arith.extui %sign3A_321 : i1 to i32
      %sign3A_323 = arith.subi %sign3A_319, %sign3A_322 : i32
      %ne3A_324 = arith.cmpi ne, %sign3A_316, %sign3A_323 : i32
      %rem3A_325 = arith.remsi %add3A_307, %jit3A_308 : i32
      %ne3A_326 = arith.constant 0 : i32
      %ne3A_327 = arith.cmpi ne, %rem3A_325, %ne3A_326 : i32
      %and3A_328 = arith.andi %ne3A_324, %ne3A_327 : i1
      %sub3A_329 = arith.constant 1 : i32
      %sub3A_330 = arith.subi %div3A_309, %sub3A_329 : i32
      %select_n3A_331 = arith.select %and3A_328, %sub3A_330, %div3A_309 : i32
      %jit3A_332 = arith.constant 8192 : i32
      %eq3A_333 = arith.constant 0 : i32
      %eq3A_334 = arith.cmpi eq, %jit3A_332, %eq3A_333 : i32
      %jit3A_335 = arith.constant 1 : i32
      %select_n3A_336 = arith.select %eq3A_334, %jit3A_335, %jit3A_332 : i32
      %rem3A_337 = arith.remsi %add3A_307, %select_n3A_336 : i32
      %ne3A_338 = arith.constant 0 : i32
      %ne3A_339 = arith.cmpi ne, %rem3A_337, %ne3A_338 : i32
      %lt3A_340 = arith.constant 0 : i32
      %lt3A_341 = arith.cmpi slt, %rem3A_337, %lt3A_340 : i32
      %lt3A_342 = arith.constant 0 : i32
      %lt3A_343 = arith.cmpi slt, %select_n3A_336, %lt3A_342 : i32
      %ne3A_344 = arith.xori %lt3A_341, %lt3A_343 : i1
      %and3A_345 = arith.andi %ne3A_344, %ne3A_339 : i1
      %add3A_346 = arith.addi %rem3A_337, %select_n3A_336 : i32
      %select_n3A_347 = arith.select %and3A_345, %add3A_346, %rem3A_337 : i32
      %mul3A_348 = arith.constant 64 : i32
      %mul3A_349 = arith.muli %select_n3A_347, %mul3A_348 : i32
      %dma_start3A_350 = tpu.memref_slice %arg5[%select_n3A_331, %mul3A_349] : memref<64x524288xf32, #tpu.memory_space<hbm>> -> memref<1x4096xf32, #tpu.memory_space<hbm>>
      %dma_start3A_351 = tpu.memref_squeeze %dma_start3A_350 : memref<1x4096xf32, #tpu.memory_space<hbm>> -> memref<4096xf32, #tpu.memory_space<hbm>>
      %dma_start3A_352 = tpu.memref_slice %arg5[%select_n3A_331, %mul3A_349] : memref<64x524288xf32, #tpu.memory_space<hbm>> -> memref<1x4096xf32, #tpu.memory_space<hbm>>
      %dma_start3A_353 = tpu.memref_squeeze %dma_start3A_352 : memref<1x4096xf32, #tpu.memory_space<hbm>> -> memref<4096xf32, #tpu.memory_space<hbm>>
      tpu.enqueue_dma source(%arg12 : memref<4096xf32, #tpu.memory_space<vmem>>) target(%dma_start3A_353 : memref<4096xf32, #tpu.memory_space<hbm>>) target_semaphore(%arg22 : memref<!tpu.dma_semaphore, #tpu.memory_space<semaphore_mem>>)
      %dma_start3A_354 = tpu.memref_slice %arg6[%select_n3A_331, %mul3A_349] : memref<64x524288xf32, #tpu.memory_space<hbm>> -> memref<1x4096xf32, #tpu.memory_space<hbm>>
      %dma_start3A_355 = tpu.memref_squeeze %dma_start3A_354 : memref<1x4096xf32, #tpu.memory_space<hbm>> -> memref<4096xf32, #tpu.memory_space<hbm>>
      %dma_start3A_356 = tpu.memref_slice %arg6[%select_n3A_331, %mul3A_349] : memref<64x524288xf32, #tpu.memory_space<hbm>> -> memref<1x4096xf32, #tpu.memory_space<hbm>>
      %dma_start3A_357 = tpu.memref_squeeze %dma_start3A_356 : memref<1x4096xf32, #tpu.memory_space<hbm>> -> memref<4096xf32, #tpu.memory_space<hbm>>
      tpu.enqueue_dma source(%arg14 : memref<4096xf32, #tpu.memory_space<vmem>>) target(%dma_start3A_357 : memref<4096xf32, #tpu.memory_space<hbm>>) target_semaphore(%arg24 : memref<!tpu.dma_semaphore, #tpu.memory_space<semaphore_mem>>)
    }
    %scan3A_39 = arith.constant 64 : i32
    %dma_wait3A = arith.constant 0 : i32
    %dma_wait3A_40 = arith.constant 0 : i32
    %dma_wait3A_41 = tpu.memref_slice %arg5[%dma_wait3A, %dma_wait3A_40] : memref<64x524288xf32, #tpu.memory_space<hbm>> -> memref<1x4096xf32, #tpu.memory_space<hbm>>
    %dma_wait3A_42 = tpu.memref_squeeze %dma_wait3A_41 : memref<1x4096xf32, #tpu.memory_space<hbm>> -> memref<4096xf32, #tpu.memory_space<hbm>>
    %dma_wait3A_43 = arith.constant 0 : i32
    %dma_wait3A_44 = tpu.memref_slice %arg5[%dma_wait3A, %dma_wait3A_43] : memref<64x524288xf32, #tpu.memory_space<hbm>> -> memref<1x4096xf32, #tpu.memory_space<hbm>>
    %dma_wait3A_45 = tpu.memref_squeeze %dma_wait3A_44 : memref<1x4096xf32, #tpu.memory_space<hbm>> -> memref<4096xf32, #tpu.memory_space<hbm>>
    tpu.wait_dma2 semaphore(%arg21 : memref<!tpu.dma_semaphore, #tpu.memory_space<semaphore_mem>>) src(%arg11 : memref<4096xf32, #tpu.memory_space<vmem>>) dst(%dma_wait3A_45 : memref<4096xf32, #tpu.memory_space<hbm>>)
    %dma_wait3A_46 = arith.constant 0 : i32
    %dma_wait3A_47 = arith.constant 0 : i32
    %dma_wait3A_48 = tpu.memref_slice %arg6[%dma_wait3A_46, %dma_wait3A_47] : memref<64x524288xf32, #tpu.memory_space<hbm>> -> memref<1x4096xf32, #tpu.memory_space<hbm>>
    %dma_wait3A_49 = tpu.memref_squeeze %dma_wait3A_48 : memref<1x4096xf32, #tpu.memory_space<hbm>> -> memref<4096xf32, #tpu.memory_space<hbm>>
    %dma_wait3A_50 = arith.constant 0 : i32
    %dma_wait3A_51 = tpu.memref_slice %arg6[%dma_wait3A_46, %dma_wait3A_50] : memref<64x524288xf32, #tpu.memory_space<hbm>> -> memref<1x4096xf32, #tpu.memory_space<hbm>>
    %dma_wait3A_52 = tpu.memref_squeeze %dma_wait3A_51 : memref<1x4096xf32, #tpu.memory_space<hbm>> -> memref<4096xf32, #tpu.memory_space<hbm>>
    tpu.wait_dma2 semaphore(%arg23 : memref<!tpu.dma_semaphore, #tpu.memory_space<semaphore_mem>>) src(%arg13 : memref<4096xf32, #tpu.memory_space<vmem>>) dst(%dma_wait3A_52 : memref<4096xf32, #tpu.memory_space<hbm>>)
    %dma_wait3A_53 = arith.constant 0 : i32
    %dma_wait3A_54 = arith.constant 0 : i32
    %dma_wait3A_55 = tpu.memref_slice %arg5[%dma_wait3A_53, %dma_wait3A_54] : memref<64x524288xf32, #tpu.memory_space<hbm>> -> memref<1x4096xf32, #tpu.memory_space<hbm>>
    %dma_wait3A_56 = tpu.memref_squeeze %dma_wait3A_55 : memref<1x4096xf32, #tpu.memory_space<hbm>> -> memref<4096xf32, #tpu.memory_space<hbm>>
    %dma_wait3A_57 = arith.constant 0 : i32
    %dma_wait3A_58 = tpu.memref_slice %arg5[%dma_wait3A_53, %dma_wait3A_57] : memref<64x524288xf32, #tpu.memory_space<hbm>> -> memref<1x4096xf32, #tpu.memory_space<hbm>>
    %dma_wait3A_59 = tpu.memref_squeeze %dma_wait3A_58 : memref<1x4096xf32, #tpu.memory_space<hbm>> -> memref<4096xf32, #tpu.memory_space<hbm>>
    tpu.wait_dma2 semaphore(%arg22 : memref<!tpu.dma_semaphore, #tpu.memory_space<semaphore_mem>>) src(%arg12 : memref<4096xf32, #tpu.memory_space<vmem>>) dst(%dma_wait3A_59 : memref<4096xf32, #tpu.memory_space<hbm>>)
    %dma_wait3A_60 = arith.constant 0 : i32
    %dma_wait3A_61 = arith.constant 0 : i32
    %dma_wait3A_62 = tpu.memref_slice %arg6[%dma_wait3A_60, %dma_wait3A_61] : memref<64x524288xf32, #tpu.memory_space<hbm>> -> memref<1x4096xf32, #tpu.memory_space<hbm>>
    %dma_wait3A_63 = tpu.memref_squeeze %dma_wait3A_62 : memref<1x4096xf32, #tpu.memory_space<hbm>> -> memref<4096xf32, #tpu.memory_space<hbm>>
    %dma_wait3A_64 = arith.constant 0 : i32
    %dma_wait3A_65 = tpu.memref_slice %arg6[%dma_wait3A_60, %dma_wait3A_64] : memref<64x524288xf32, #tpu.memory_space<hbm>> -> memref<1x4096xf32, #tpu.memory_space<hbm>>
    %dma_wait3A_66 = tpu.memref_squeeze %dma_wait3A_65 : memref<1x4096xf32, #tpu.memory_space<hbm>> -> memref<4096xf32, #tpu.memory_space<hbm>>
    tpu.wait_dma2 semaphore(%arg24 : memref<!tpu.dma_semaphore, #tpu.memory_space<semaphore_mem>>) src(%arg14 : memref<4096xf32, #tpu.memory_space<vmem>>) dst(%dma_wait3A_66 : memref<4096xf32, #tpu.memory_space<hbm>>)
    return
  }
}

</mosaic_0001>

<sc_bundles>
// kernel: kernel.3.cloned.1.call-start
scs
__scs_entry_jumppad:
0x0: {  	(pc) =	sbr.rel $0x88, $3  }
0x1: {  	(tag) =	ssettag $0x0;
	lr =	simm.s32 $0x1  }
0x2: {  	[smem:$0x3F9E] =	sst lr;
	_ =	strace $0xD0000000  }
0x3: {  	_ = 	snop  }
0x4: {  	_ = 	snop  }
0x5: {  	_ = 	snop  }
0x6: {  	_ = 	snop  }
0x7: {  	_ = 	snop  }
__scs_overlays_trampoline_lowered:
0x8: {  	[smem:$0x3FAD] =	sst s0  }
0x9: {  	[smem:$0x3FAE] =	sst s1  }
0xa: {  	[smem:$0x3FAF] =	sst s2  }
0xb: {  	[smem:$0x3FB0] =	sst s3  }
0xc: {  	[smem:$0x3FB1] =	sst s4  }
0xd: {  	[smem:$0x3FB2] =	sst s5  }
0xe: {  	[smem:$0x3FB3] =	sst s6  }
0xf: {  	[smem:$0x3FB4] =	sst s7  }
0x10: {  	[smem:$0x3FB5] =	sst s8  }
0x11: {  	[smem:$0x3FB6] =	sst s9;
	s0 =	simm.s32 @!p0 $0x0  }
0x12: {  	s1 =	sld [smem:$0x3F9C];
	s0 =	simm.s32 @p0 $0x1  }
0x13: {  	[smem:$0x3FB7] =	sst s0;
	s0 =	simm.s32 @!p1 $0x0  }
0x14: {  	s2 =	sld [smem:$0x3F9B];
	s0 =	simm.s32 @p1 $0x1  }
0x15: {  	[smem:$0x3FB8] =	sst s0;
	s0 =	simm.s32 @!p2 $0x0  }
0x16: {  	s3 =	sld [smem:$0x3FDB];
	s0 =	simm.s32 @p2 $0x1  }
0x17: {  	s4 =	simm.s32 $0x1BF5;
	[smem:$0x3FBA] =	sst s0  }
0x18: {  	s0 =	sld [smem:$0x3F9D];
	_ =	swait.ge [sflag:s4], $0x0  }
0x19: {  	s7 =	sld [smem:$0x3F9E]  }
0x1a: {  	s8 =	sadd.s32 $0xFFFFE003, lr  }
0x1b: {  	s9 =	sadd.s32 $0xFFFFFEF7, lr;
	s5 =	simm.s32 $0xFFFFFFFF;
	p2 =	slt.u32 s8, $0xFFFFF086  }
0x1c: {  	p1 =	slt.u32 s9, $0xF7A;
	s5 =	simm.s32 @!p2 $0x0  }
0x1d: {  	s5 =	simm.s32 @p1 $0x1;
	p0 =	seq.s32 s7, s2  }
0x1e: {  	s7 =	smul.u32 @!p0 $0xF7A, s2;
	p2 =	seq.s32 @!p0 s5, $0x0  }
0x1f: {  	s9 =	smul.u32 $0xF7A, s1;
	s8 =	simm.s32 @!p0 $0x1BF5;
	p2 =	por !p2, p0  }
0x20: {  	[sflag:s8] =	ssyncset.s32 @!p0 $0xFFFFF086;
	s6 =	sadd.s32 @!p0 s3, s7;
	s7 =	simm.s32 @!p0 $0x108  }
0x21: {  	s3 =	sadd.s32 s3, s9;
	s6 =	sadd.s32 @!p0 $0x88, s6;
	s7 =	simm.s32 @p2 $0x1082  }
0x22: {  	[simem:s7], [sflag:s8] =	dma.local @!p0 [hbm:s6], $0xF7A  }
0x23: {  	s9 =	sor.u32 $0xD0000000, s2;
	s6 =	simm.s32 $0x108;
	_ =	swait.ge @!p0 [sflag:s8], $0x0  }
0x24: {  	s3 =	sadd.s32 $0x88, s3;
	s6 =	simm.s32 @!p1 $0x1082;
	[sflag:s4] =	ssyncset.s32 $0xFFFFF086  }
0x25: {  	[simem:s6], [sflag:s4] =	dma.local [hbm:s3], $0xF7A  }
0x26: {  	[smem:$0x3F9E] =	sst s1;
	(tag) =	ssettag s2;
	_ =	strace s9  }
0x27: {  	s1 =	sld [smem:$0x3FAE]  }
0x28: {  	s2 =	sld [smem:$0x3FAF]  }
0x29: {  	s4 =	sld [smem:$0x3FB1]  }
0x2a: {  	p0 =	seq.s32 s5, $0x0;
	s5 =	sld [smem:$0x3FB2]  }
0x2b: {  	s6 =	sld [smem:$0x3FB3]  }
0x2c: {  	s7 =	sld [smem:$0x3FB4]  }
0x2d: {  	s3 =	simm.s32 $0x108;
	s8 =	sld [smem:$0x3FB5]  }
0x2e: {  	s3 =	simm.s32 @!p0 $0x1082;
	s9 =	sld [smem:$0x3FB6]  }
0x2f: {  	lr =	sadd.s32 s0, s3;
	s0 =	sld [smem:$0x3FAD]  }
0x30: {  	s3 =	sld [smem:$0x3FB0]  }
0x31: {  	[smem:$0x3FB9] =	sst s10  }
0x32: {  	s10 =	sld [smem:$0x3FB7];
	_ =	sdelay $0x3  }
0x33: {  	p0 =	seq.s32 s10, $0x1;
	s10 =	sld [smem:$0x3FB9];
	_ =	sdelay $0x3  }
0x34: {  	[smem:$0x3FB9] =	sst s10  }
0x35: {  	s10 =	sld [smem:$0x3FB8];
	_ =	sdelay $0x3  }
0x36: {  	p1 =	seq.s32 s10, $0x1;
	s10 =	sld [smem:$0x3FB9];
	_ =	sdelay $0x3  }
0x37: {  	[smem:$0x3FB9] =	sst s10  }
0x38: {  	s10 =	sld [smem:$0x3FBA]  }
0x39: {  	_ = 	snop;
	(pc) =	sbr.ind lr, $3  }
0x3a: {  	_ = 	snop  }
0x3b: {  	_ = 	snop  }
0x3c: {  	p2 =	seq.s32 s10, $0x1;
	s10 =	sld [smem:$0x3FB9]  }
0x3d: {  	_ =	shalt  }
0x3e: {  	_ =	shalt  }
0x3f: {  	_ =	shalt  }
0x40: {  	_ =	shalt  }
0x41: {  	_ =	shalt  }
0x42: {  	_ =	shalt  }
0x43: {  	_ =	shalt  }
0x44: {  	_ =	shalt  }
0x45: {  	_ =	shalt  }
0x46: {  	_ =	shalt  }
0x47: {  	_ =	shalt  }
0x48: {  	_ =	shalt  }
0x49: {  	_ =	shalt  }
0x4a: {  	_ =	shalt  }
0x4b: {  	_ =	shalt  }
0x4c: {  	_ =	shalt  }
0x4d: {  	_ =	shalt  }
0x4e: {  	_ =	shalt  }
0x4f: {  	_ =	shalt  }
0x50: {  	_ =	shalt  }
0x51: {  	_ =	shalt  }
0x52: {  	_ =	shalt  }
0x53: {  	_ =	shalt  }
0x54: {  	_ =	shalt  }
0x55: {  	_ =	shalt  }
0x56: {  	_ =	shalt  }
0x57: {  	_ =	shalt  }
0x58: {  	_ =	shalt  }
0x59: {  	_ =	shalt  }
0x5a: {  	_ =	shalt  }
0x5b: {  	_ =	shalt  }
0x5c: {  	_ =	shalt  }
0x5d: {  	_ =	shalt  }
0x5e: {  	_ =	shalt  }
0x5f: {  	_ =	shalt  }
0x60: {  	_ =	shalt  }
0x61: {  	_ =	shalt  }
0x62: {  	_ =	shalt  }
0x63: {  	_ =	shalt  }
0x64: {  	_ =	shalt  }
0x65: {  	_ =	shalt  }
0x66: {  	_ =	shalt  }
0x67: {  	_ =	shalt  }
0x68: {  	_ =	shalt  }
0x69: {  	_ =	shalt  }
0x6a: {  	_ =	shalt  }
0x6b: {  	_ =	shalt  }
0x6c: {  	_ =	shalt  }
0x6d: {  	_ =	shalt  }
0x6e: {  	_ =	shalt  }
0x6f: {  	_ =	shalt  }
0x70: {  	_ =	shalt  }
0x71: {  	_ =	shalt  }
0x72: {  	_ =	shalt  }
0x73: {  	_ =	shalt  }
0x74: {  	_ =	shalt  }
0x75: {  	_ =	shalt  }
0x76: {  	_ =	shalt  }
0x77: {  	_ =	shalt  }
0x78: {  	_ =	shalt  }
0x79: {  	_ =	shalt  }
0x7a: {  	_ =	shalt  }
0x7b: {  	_ =	shalt  }
0x7c: {  	_ =	shalt  }
0x7d: {  	_ =	shalt  }
0x7e: {  	_ =	shalt  }
0x7f: {  	_ =	shalt  }
0x80: {  	_ =	shalt  }
0x81: {  	_ =	shalt  }
0x82: {  	_ =	shalt  }
0x83: {  	_ =	shalt  }
0x84: {  	_ =	shalt  }
0x85: {  	_ =	shalt  }
0x86: {  	_ =	shalt  }
0x87: {  	_ =	shalt  }
.Lfunc_end0:
.L_simem_size_0:
called_computation_lowered:
.L_overlay_start_0:
0x88: {  	s2 =	sld [smem:$0x3FD9]  }
0x89: {  	s3 =	sld [smem:$0x3FFE];
	_ =	sdelay $0x1  }
0x8a: {  	s1 =	srdreg.scid  }
0x8b: {  	s0 =	sand.u32 $0x1, s1  }
0x8c: {  	s14 =	sshll.u32 s0, $0xA;
	s2 =	sadd.s32 s3, s2  }
0x8d: {  	s2 =	sadd.s32 s2, s14  }
0x8e: {  	[smem:$0x3FC5] =	sst s2  }
0x8f: {  	_ = 	snop  }
0x90: {  	s2 =	sld [smem:$0x3FD0];
	_ =	sdelay $0x2  }
0x91: {  	s4 =	simm.s32 $0xA;
	s5 =	simm.s32 $0x10;
	s15 =	sld [smem:$0x3FC9]  }
0x92: {  	[smem:s5], [sflag:s4] =	dma.local [hbm:s2], $0x1  }
0x93: {  	_ =	swait.eq [sflag:s4], $0x1  }
0x94: {  	[sflag:s4] =	ssyncset.done $0x0  }
0x95: {  	s16 =	sld [smem:$0x10];
	[sflag:s4] =	ssyncadd.s32 $0xFFFFFFFF  }
0x96: {  	s17 =	sld [smem:$0x11];
	(tm) =	ssettm $0x1  }
0x97: {  	s18 =	sld [smem:$0x3FFB];
	_ =	sdelay $0x3  }
0x98: {  	_ =	strace s18  }
0x99: {  	s5 =	sld [smem:$0x3FFC];
	_ =	sdelay $0x3  }
0x9a: {  	_ =	strace s5  }
0x9b: {  	s5 =	sld [smem:$0x3FFD];
	_ =	sdelay $0x3  }
0x9c: {  	_ =	strace s5  }
0x9d: {  	_ =	strace $0x8FFFFFFF  }
0x9e: {  	s19 =	sld [smem:$0x3FDB];
	_ =	sdelay $0x1  }
0x9f: {  	s6 =	simm.s32 $_scs_section_size  }
0xa0: {  	s7 =	simm.s32 $_size__tile_overlayer_lowered;
	s8 =	simm.s32 $_tile_overlayer_lowered  }
0xa1: {  	s22 =	simm.s32 $0x1BFF;
	s21 =	sshll.u32 s8, $0x1;
	s5 =	sadd.s32 s6, s19  }
0xa2: {  	s9 =	simm.s32 $0x0;
	s20 =	sshll.u32 s7, $0x1;
	s7 =	sadd.s32 s21, s5  }
0xa3: {  	[timem:s9], [sflag:s22] =	dma.local [hbm:s7], s20  }
0xa4: {  	_ =	swait.ge [sflag:s22], s20  }
0xa5: {  	s6 =	ssub.s32 $0x0, s20;
	[sflag:s22] =	ssyncset.done $0x0  }
0xa6: {  	[sflag:s22] =	ssyncadd.s32 s6;
	_ =	sdelay $0x1  }
0xa7: {  	s23 =	simm.s32 $0x1B8B  }
0xa8: {  	_ =	swait.ge [sflag:s23], $0x1  }
0xa9: {  	[sflag:s23] =	ssyncset.done $0x0  }
0xaa: {  	s25 =	simm.s32 $0x1B8E;
	s24 =	sld [smem:$0x3FFE];
	[sflag:s23] =	ssyncadd.s32 $0xFFFFFFFF  }
0xab: {  	s26 =	simm.s32 $execute0_lowered;
	[smem:$0x3FD2] =	sst s25  }
0xac: {  	s7 =	sshll.u32 s26, $0x1;
	_ =	strace $0x80000046;
	[dreg:$0x1] =	wrdreg $0xFFFFFFFF  }
0xad: {  	s28 =	simm.s32 $_size_execute0_lowered;
	s5 =	sadd.s32 s5, s7;
	[dreg:$0x0] =	wrdreg $0x0  }
0xae: {  	s7 =	sshll.u32 s28, $0x1;
	[dreg:$0x2] =	wrdreg s5  }
0xaf: {  	[dreg:$0x3] =	wrdreg s7  }
0xb0: {  	[dreg:$0x4] =	wrdreg $0xC0  }
0xb1: {  	_ =	task [dreg:s9], $0x5FFFF  }
0xb2: {  	[dreg:$0x1] =	wrdreg $0xFFFFFFFF  }
0xb3: {  	[dreg:$0x0] =	wrdreg $0x60  }
0xb4: {  	[dreg:$0x2] =	wrdreg s15  }
0xb5: {  	[dreg:$0x3] =	wrdreg s24  }
0xb6: {  	[dreg:$0x4] =	wrdreg s16  }
0xb7: {  	[dreg:$0x5] =	wrdreg s17  }
0xb8: {  	[dreg:$0x6] =	wrdreg $0x9  }
0xb9: {  	_ =	task.clear_ibuf [dreg:s9], $0x7FFFF;
	_ =	strace $0x90000046  }
0xba: {  	s29 =	simm.s32 $0x9;
	_ =	strace $0x80000048  }
0xbb: {  	_ =	swait.ge [sflag:s29], $0x1  }
0xbc: {  	[sflag:s29] =	ssyncadd.s32 $0xFFFFFFFF  }
0xbd: {  	_ =	strace $0x90000048  }
0xbe: {  	_ =	sfence  }
0xbf: {  	s30 =	sld [smem:$0x0];
	_ =	sdelay $0x2  }
0xc0: {  	s31 =	sshll.u32 s1, $0xD;
	s1 =	sshrl.u32 s1, $0x2  }
0xc1: {  	s3 =	sand.u32 $0x4000, s31;
	s1 =	sadd.s32 s1, s30  }
0xc2: {  	s0 =	sor.u32 s3, s0;
	s1 =	sshll.u32 s1, $0x11  }
0xc3: {  	s0 =	sor.u32 s1, s0  }
0xc4: {  	s0 =	sadd.s32 $0x8F2B, s0  }
0xc5: {  	[sflag:s0] =	ssyncadd.remote.s32 $0x1  }
0xc6: {  	_ =	sfence.sel $0xFFFF  }
0xc7: {  	[dreg:$0x0] =	wrdreg $0xFFFFFFFF;
	(pc) =	sbr.abs _section_cstart, $3  }
0xc8: {  	[dreg:$0x1] =	wrdreg $0xFFFFFFFF  }
0xc9: {  	_ =	task.clear_ibuf [dreg:s9], $0x2FFFF;
	_ =	strace $0x9FFFFFFF  }
0xca: {  	(tm) =	ssettm $0x7FFFFFFF  }
0xcb: {  	_ =	shalt  }
tec
execute0_lowered:
.L_overlay_start_1:
0x0: {  	(tag) =	ssettag $0x1  }
0x1: {  	s0 =	rddreg [dreg:$0x0]  }
0x2: {  	s4 =	rddreg [dreg:$0x1];
	s5 =	simm.s32 $0x0;
	s1 =	srdreg.scid  }
0x3: {  	s2 =	stileid.u32;
	[smem:$0x7FF] =	sst s5  }
0x4: {  	s1 =	sand.u32 $0x1, s1;
	s2 =	sshll.u32 s2, $0x1;
	s23 =	sadd.s32 $0x200, s4  }
0x5: {  	_ =	strace $0x80000047;
	s3 =	ssub.s32 $0x2, s1;
	s1 =	sor.u32 s1, s2  }
0x6: {  	[dreg:$0x5] =	wrdreg s23;
	s25 =	sshll.u32 s1, $0x12;
	s1 =	sshll.u32 s1, $0xE  }
0x7: {  	[dreg:$0x6] =	wrdreg s1;
	s0 =	sadd.s32 s0, s25  }
0x8: {  	s26 =	sadd.s32 $0x400, s0;
	[dreg:$0x7] =	wrdreg s0  }
0x9: {  	s28 =	sadd.s32 $0x800, s0;
	[dreg:$0x8] =	wrdreg s26  }
0xa: {  	s18 =	simm.s32 $0x2000;
	s29 =	sadd.s32 $0x1000, s0;
	[dreg:$0x9] =	wrdreg s28  }
0xb: {  	s24 =	sshrl.u32 s3, $0x1;
	s30 =	sadd.s32 $0x1400, s0;
	[dreg:$0xa] =	wrdreg s29  }
0xc: {  	s2 =	ssub.s32 s3, s24;
	s0 =	sadd.s32 $0x1800, s0;
	[dreg:$0xb] =	wrdreg s30  }
0xd: {  	s19 =	simm.s32 $0x4000;
	s31 =	smax.u32 s2, $0x1;
	[dreg:$0xc] =	wrdreg s0  }
0xe: {  	s20 =	simm.s32 $0x6000;
	s2 =	simm.s32 $0x0;
	[dreg:$0xd] =	wrdreg s31  }
.LBB2_1:
0xf: {  	[dreg:$0xe] =	wrdreg s2  }
0x10: {  	s0 =	rddreg [dreg:$0x5];
	s1 =	simm.s32 $0xC000;
	s25 =	simm.s32 $0x9  }
0x11: {  	[tilespmem:s1], [sflag:$0x9] =	stream.linear.gather [hbm4b:s0+s5], $0x80, $0x38;
	[tilespmem:$0xC100] =	vst v63  }
0x12: {  	_ =	swait.ge [sflag:s25], $0x80  }
0x13: {  	[sflag:s25] =	ssyncset.done $0x0  }
0x14: {  	[sflag:s25] =	ssyncadd.s32 $0xFFFFFF80  }
0x15: {  	s28 =	simm.s32 $0xC080;
	s26 =	rddreg [dreg:$0x1]  }
0x16: {  	[tilespmem:s28], [sflag:$0x9] =	stream.linear.gather [hbm4b:s26+s5], $0x80, $0x38;
	[tilespmem:$0xC100] =	vst v63  }
0x17: {  	_ =	swait.ge [sflag:s25], $0x80  }
0x18: {  	[sflag:s25] =	ssyncset.done $0x0  }
0x19: {  	[sflag:s25] =	ssyncadd.s32 $0xFFFFFF80  }
0x1a: {  	v0 =	vld [tilespmem:$0xC000]  }
0x1b: {  	v1 =	vld [tilespmem:$0xC010]  }
0x1c: {  	v2 =	vld [tilespmem:$0xC020]  }
0x1d: {  	v3 =	vld [tilespmem:$0xC030]  }
0x1e: {  	v4 =	vld [tilespmem:$0xC080]  }
0x1f: {  	v5 =	vld [tilespmem:$0xC090]  }
0x20: {  	s29 =	rddreg [dreg:$0x7];
	v6 =	vld [tilespmem:$0xC0A0]  }
0x21: {  	v7 =	vld [tilespmem:$0xC0B0];
	[tilespmem:s5], [sflag:$0x1] =	stream.linear.gather [hbm4b:s29+s5], $0x2000, $0x38  }
0x22: {  	s30 =	rddreg [dreg:$0x8]  }
0x23: {  	[tilespmem:s18], [sflag:$0x2] =	stream.linear.gather [hbm4b:s30+s5], $0x2000, $0x38;
	[tilespmem:$0xC100] =	vst v63  }
0x24: {  	s2 =	simm.s32 $0x0;
	s31 =	rddreg [dreg:$0x9]  }
0x25: {  	[tilespmem:s19], [sflag:$0x3] =	stream.linear.gather [hbm4b:s31+s5], $0x2000, $0x38;
	[tilespmem:$0xC100] =	vst v63  }
.LBB2_2:
0x26: {  	s0 =	sshllo.u32 s2, $0x2;
	s1 =	rddreg [dreg:$0x7]  }
0x27: {  	[dreg:$0x10] =	wrdreg s0;
	s0 =	sshll.u32 s0, $0xA  }
0x28: {  	s24 =	simm.s32 $0x1;
	s0 =	sadd.s32 s0, s1  }
0x29: {  	[tilespmem:s20], [sflag:$0x4] =	stream.linear.gather [hbm4b:s0+s5], $0x2000, $0x38;
	[tilespmem:$0xC100] =	vst v63  }
0x2a: {  	_ =	swait.ge [sflag:s24], $0x2000  }
0x2b: {  	p0 =	seq.s32 s2, $0x0;
	[sflag:s24] =	ssyncset.done $0x0  }
0x2c: {  	s0 =	simm.s32 @!p0 $0x5;
	[dreg:$0xf] =	wrdreg s2;
	[sflag:s24] =	ssyncadd.s32 $0xFFFFE000  }
0x2d: {  	s8 =	simm.s32 $0x180;
	_ =	swait.ge @!p0 [sflag:s0], $0x1000  }
0x2e: {  	v8 =	vadd.s32 s8, v0;
	[sflag:s0] =	ssyncset.done @!p0 $0x0  }
0x2f: {  	s17 =	simm.s32 $0x100;
	[sflag:s0] =	ssyncadd.s32 @!p0 $0xFFFFF000;
	s0 =	simm.s32 @!p0 $0x7  }
0x30: {  	s15 =	simm.s32 $0x0;
	v9 =	vadd.s32 s17, v0;
	_ =	swait.ge @!p0 [sflag:s0], $0x1000  }
0x31: {  	v10 =	vadd.s32 s15, v0;
	[sflag:s0] =	ssyncset.done @!p0 $0x0  }
0x32: {  	[sflag:s0] =	ssyncadd.s32 @!p0 $0xFFFFF000  }
0x33: {  	v8 =	vld.idx.msk [tilespmem:v8+s5+$0x0], $0xffff  }
0x34: {  	s3 =	simm.s32 $0x80;
	v11 =	vadd.s32 s8, v4  }
0x35: {  	v12 =	vadd.s32 s3, v0;
	v9 =	vld.idx.msk [tilespmem:v9+s5+$0x0], $0xffff  }
0x36: {  	v13 =	vadd.s32 s17, v4;
	v10 =	vld.idx.msk [tilespmem:v10+s5+$0x0], $0xffff  }
0x37: {  	s9 =	simm.s32 $0x8080;
	v14 =	vadd.s32 s15, v4  }
0x38: {  	[tilespmem:s9+$0x40] =	vst v8  }
0x39: {  	v8 =	vld.idx.msk [tilespmem:v11+s5+$0x0], $0xffff  }
0x3a: {  	[tilespmem:s9+$0x0] =	vst v9;
	v11 =	vld.idx.msk [tilespmem:v12+s5+$0x0], $0xffff  }
0x3b: {  	[tilespmem:s9+$0xFFFFFF80] =	vst v10;
	v12 =	vadd.s32 s8, v1;
	v9 =	vld.idx.msk [tilespmem:v13+s5+$0x0], $0xffff  }
0x3c: {  	v10 =	vld.idx.msk [tilespmem:v14+s5+$0x0], $0xffff;
	v13 =	vadd.s32 s17, v1  }
0x3d: {  	s24 =	simm.s32 $0xA080;
	v14 =	vadd.s32 s15, v1  }
0x3e: {  	v15 =	vadd.s32 s3, v4;
	[tilespmem:s24+$0x40] =	vst v8  }
0x3f: {  	s1 =	simm.s32 $0x200;
	[tilespmem:s9+$0xFFFFFFC0] =	vst v11  }
0x40: {  	s10 =	simm.s32 $0x300;
	v8 =	vadd.s32 s1, v0;
	[tilespmem:s24+$0x0] =	vst v9;
	v11 =	vld.idx.msk [tilespmem:v12+s5+$0x0], $0xffff  }
0x41: {  	s7 =	simm.s32 $0x280;
	[tilespmem:s24+$0xFFFFFF80] =	vst v10;
	v9 =	vadd.s32 s10, v0;
	v10 =	vld.idx.msk [tilespmem:v13+s5+$0x0], $0xffff  }
0x42: {  	v18 =	vadd.s32 s7, v0;
	v13 =	vld.idx.msk [tilespmem:v14+s5+$0x0], $0xffff  }
0x43: {  	s25 =	simm.s32 $0xC0;
	v12 =	vld.idx.msk [tilespmem:v15+s5+$0x0], $0xffff;
	v15 =	vadd.s32 s8, v5  }
0x44: {  	v16 =	vadd.s32 s3, v1;
	s26 =	sor.u32 $0x50, s25  }
0x45: {  	s13 =	simm.s32 $0x380;
	v14 =	vadd.s32 s17, v5;
	v8 =	vld.idx.msk [tilespmem:v8+s5+$0x0], $0xffff;
	[tilespmem:s26+$0x8000] =	vst v11  }
0x46: {  	v17 =	vadd.s32 s13, v0;
	v9 =	vld.idx.msk [tilespmem:v9+s5+$0x0], $0xffff;
	[tilespmem:s9+$0x10] =	vst v10  }
0x47: {  	v10 =	vadd.s32 s15, v5;
	[tilespmem:s9+$0xFFFFFF90] =	vst v13;
	v13 =	vld.idx.msk [tilespmem:v18+s5+$0x0], $0xffff  }
0x48: {  	v11 =	vadd.s32 s1, v4;
	[tilespmem:s24+$0xFFFFFFC0] =	vst v12;
	v12 =	vld.idx.msk [tilespmem:v15+s5+$0x0], $0xffff  }
0x49: {  	s12 =	simm.s32 $0x8180;
	v15 =	vld.idx.msk [tilespmem:v16+s5+$0x0], $0xffff;
	v16 =	vadd.s32 s8, v2  }
0x4a: {  	v19 =	vadd.s32 s10, v4;
	v14 =	vld.idx.msk [tilespmem:v14+s5+$0x0], $0xffff;
	[tilespmem:s12+$0xFFFFFF80] =	vst v8  }
0x4b: {  	v20 =	vadd.s32 s7, v4;
	v8 =	vld.idx.msk [tilespmem:v17+s5+$0x0], $0xffff;
	[tilespmem:s12+$0x0] =	vst v9  }
0x4c: {  	s22 =	simm.s32 $0x40;
	v17 =	vadd.s32 s13, v4;
	v10 =	vld.idx.msk [tilespmem:v10+s5+$0x0], $0xffff;
	[tilespmem:s12+$0xFFFFFFC0] =	vst v13  }
0x4d: {  	s29 =	sor.u32 $0x50, s22;
	v11 =	vld.idx.msk [tilespmem:v11+s5+$0x0], $0xffff;
	v13 =	vadd.s32 s15, v2;
	[tilespmem:s26+$0xA000] =	vst v12  }
0x4e: {  	[tilespmem:s29+$0x8000] =	vst v15;
	v12 =	vld.idx.msk [tilespmem:v16+s5+$0x0], $0xffff;
	v16 =	vadd.s32 s3, v5  }
0x4f: {  	v18 =	vadd.s32 s8, v6;
	v9 =	vld.idx.msk [tilespmem:v19+s5+$0x0], $0xffff;
	[tilespmem:s24+$0x10] =	vst v14  }
0x50: {  	v14 =	vld.idx.msk [tilespmem:v20+s5+$0x0], $0xffff;
	[tilespmem:s12+$0x40] =	vst v8;
	v8 =	vadd.s32 s17, v2  }
0x51: {  	s11 =	simm.s32 $0xA180;
	s14 =	simm.s32 $0x400;
	v15 =	vld.idx.msk [tilespmem:v17+s5+$0x0], $0xffff;
	v17 =	vadd.s32 s1, v1;
	[tilespmem:s24+$0xFFFFFF90] =	vst v10  }
0x52: {  	s4 =	sor.u32 $0x60, s25;
	[tilespmem:s11+$0xFFFFFF80] =	vst v11;
	v11 =	vadd.s32 s14, v0;
	v13 =	vld.idx.msk [tilespmem:v13+s5+$0x0], $0xffff  }
0x53: {  	[tilespmem:s4+$0x8000] =	vst v12;
	v12 =	vadd.s32 s13, v1;
	v16 =	vld.idx.msk [tilespmem:v16+s5+$0x0], $0xffff  }
0x54: {  	v19 =	vadd.s32 s3, v2;
	v18 =	vld.idx.msk [tilespmem:v18+s5+$0x0], $0xffff  }
0x55: {  	v10 =	vadd.s32 s10, v1;
	[tilespmem:s11+$0x0] =	vst v9;
	v8 =	vld.idx.msk [tilespmem:v8+s5+$0x0], $0xffff  }
0x56: {  	v9 =	vadd.s32 s15, v6;
	[tilespmem:s11+$0xFFFFFFC0] =	vst v14;
	v17 =	vld.idx.msk [tilespmem:v17+s5+$0x0], $0xffff  }
0x57: {  	[tilespmem:s11+$0x40] =	vst v15;
	v15 =	vadd.s32 s8, v3;
	v11 =	vld.idx.msk [tilespmem:v11+s5+$0x0], $0xffff  }
0x58: {  	v12 =	vld.idx.msk [tilespmem:v12+s5+$0x0], $0xffff;
	[tilespmem:s29+$0xA000] =	vst v16;
	v16 =	vadd.s32 s17, v6  }
0x59: {  	v20 =	vadd.s32 s7, v1;
	[tilespmem:s9+$0xFFFFFFA0] =	vst v13;
	v19 =	vld.idx.msk [tilespmem:v19+s5+$0x0], $0xffff  }
0x5a: {  	v14 =	vadd.s32 s3, v6;
	v10 =	vld.idx.msk [tilespmem:v10+s5+$0x0], $0xffff;
	[tilespmem:s4+$0xA000] =	vst v18  }
0x5b: {  	s16 =	simm.s32 $0x500;
	s26 =	simm.s32 $0x1C0;
	v9 =	vld.idx.msk [tilespmem:v9+s5+$0x0], $0xffff;
	[tilespmem:s9+$0x20] =	vst v8;
	v8 =	vadd.s32 s13, v5  }
0x5c: {  	s30 =	sor.u32 $0x50, s26;
	v18 =	vadd.s32 s16, v0;
	v15 =	vld.idx.msk [tilespmem:v15+s5+$0x0], $0xffff;
	[tilespmem:s12+$0xFFFFFF90] =	vst v17  }
0x5d: {  	s23 =	sor.u32 $0x60, s22;
	v17 =	vadd.s32 s8, v7;
	[tilespmem:s30+$0x8000] =	vst v12;
	v12 =	vld.idx.msk [tilespmem:v16+s5+$0x0], $0xffff  }
0x5e: {  	s21 =	simm.s32 $0x580;
	s2 =	simm.s32 $0x8280;
	v16 =	vld.idx.msk [tilespmem:v20+s5+$0x0], $0xffff;
	v20 =	vadd.s32 s10, v5;
	[tilespmem:s23+$0x8000] =	vst v19  }
0x5f: {  	v13 =	vadd.s32 s21, v0;
	[tilespmem:s2+$0xFFFFFF80] =	vst v11;
	v11 =	vld.idx.msk [tilespmem:v14+s5+$0x0], $0xffff  }
0x60: {  	s29 =	sor.u32 $0x70, s25;
	[tilespmem:s12+$0x10] =	vst v10;
	v19 =	vadd.s32 s14, v4;
	v8 =	vld.idx.msk [tilespmem:v8+s5+$0x0], $0xffff  }
0x61: {  	v10 =	vadd.s32 s17, v3;
	[tilespmem:s29+$0x8000] =	vst v15;
	v15 =	vld.idx.msk [tilespmem:v18+s5+$0x0], $0xffff  }
0x62: {  	s0 =	simm.s32 $0x140;
	[tilespmem:s24+$0xFFFFFFA0] =	vst v9;
	v14 =	vadd.s32 s15, v3;
	v23 =	vld.idx.msk [tilespmem:v17+s5+$0x0], $0xffff  }
0x63: {  	s4 =	sor.u32 $0x50, s0;
	v18 =	vadd.s32 s1, v5;
	v20 =	vld.idx.msk [tilespmem:v20+s5+$0x0], $0xffff;
	[tilespmem:s24+$0x20] =	vst v12  }
0x64: {  	v12 =	vld.idx.msk [tilespmem:v13+s5+$0x0], $0xffff;
	v13 =	vadd.s32 s13, v2;
	[tilespmem:s4+$0x8000] =	vst v16  }
0x65: {  	v9 =	vld.idx.msk [tilespmem:v19+s5+$0x0], $0xffff;
	v19 =	vadd.s32 s3, v3;
	[tilespmem:s23+$0xA000] =	vst v11  }
0x66: {  	v22 =	vadd.s32 s7, v5;
	s25 =	simm.s32 $0x480;
	v10 =	vld.idx.msk [tilespmem:v10+s5+$0x0], $0xffff;
	[tilespmem:s30+$0xA000] =	vst v8  }
0x67: {  	v11 =	vadd.s32 s25, v0;
	v14 =	vld.idx.msk [tilespmem:v14+s5+$0x0], $0xffff;
	[tilespmem:s2+$0x0] =	vst v15  }
0x68: {  	v8 =	vadd.s32 s16, v4;
	v16 =	vld.idx.msk [tilespmem:v18+s5+$0x0], $0xffff;
	[tilespmem:s29+$0xA000] =	vst v23  }
0x69: {  	v15 =	vld.idx.msk [tilespmem:v13+s5+$0x0], $0xffff;
	v13 =	vadd.s32 s17, v7;
	[tilespmem:s11+$0x10] =	vst v20  }
0x6a: {  	s8 =	simm.s32 $0xA280;
	v18 =	vadd.s32 s15, v7;
	[tilespmem:s2+$0x40] =	vst v12;
	v19 =	vld.idx.msk [tilespmem:v19+s5+$0x0], $0xffff  }
0x6b: {  	v17 =	vld.idx.msk [tilespmem:v22+s5+$0x0], $0xffff;
	v20 =	vadd.s32 s21, v4;
	[tilespmem:s8+$0xFFFFFF80] =	vst v9  }
0x6c: {  	v21 =	vld.idx.msk [tilespmem:v11+s5+$0x0], $0xffff;
	[tilespmem:s9+$0xFFFFFFB0] =	vst v14;
	v14 =	vadd.s32 s3, v7  }
0x6d: {  	v24 =	vadd.s32 s13, v6;
	[tilespmem:s9+$0x30] =	vst v10;
	v11 =	vld.idx.msk [tilespmem:v8+s5+$0x0], $0xffff  }
0x6e: {  	s31 =	sor.u32 $0x70, s22;
	v10 =	vadd.s32 s25, v4;
	[tilespmem:s11+$0xFFFFFF90] =	vst v16;
	v16 =	vld.idx.msk [tilespmem:v13+s5+$0x0], $0xffff  }
0x6f: {  	s23 =	sor.u32 $0x60, s26;
	v13 =	vld.idx.msk [tilespmem:v18+s5+$0x0], $0xffff;
	[tilespmem:s31+$0x8000] =	vst v19;
	v19 =	vadd.s32 s10, v2  }
0x70: {  	v12 =	vadd.s32 s14, v1;
	v18 =	vld.idx.msk [tilespmem:v20+s5+$0x0], $0xffff;
	[tilespmem:s23+$0x8000] =	vst v15  }
0x71: {  	s28 =	simm.s32 $0x600;
	v14 =	vld.idx.msk [tilespmem:v14+s5+$0x0], $0xffff;
	[tilespmem:s2+$0xFFFFFFC0] =	vst v21;
	v21 =	vadd.s32 s21, v1  }
0x72: {  	s15 =	simm.s32 $0x8;
	s17 =	simm.s32 $0x2C0;
	v9 =	vadd.s32 s7, v2;
	v8 =	vadd.s32 s25, v2;
	s3 =	simm.s32 $0x8280;
	v20 =	vadd.s32 s1, v2;
	v15 =	vld.idx.msk [tilespmem:v24+s5+$0x0], $0xffff  }
.LBB2_3:
0x73: {  	v22 =	vadd.s32 s28, v0;
	s9 =	sadd.s32 $0x80, s28;
	s15 =	sadd.s32 $0x4, s15;
	v10 =	vld.idx.msk [tilespmem:v10+s5+$0x0], $0xffff;
	[tilespmem:s24+$0x30] =	vst v16  }
0x74: {  	s22 =	sadd.s32 $0x100, s28;
	v16 =	vadd.s32 s9, v0;
	v23 =	vadd.s32 s9, v2;
	p1 =	slt.u32 s15, $0x3C;
	v19 =	vld.idx.msk [tilespmem:v19+s5+$0x0], $0xffff;
	[tilespmem:s24+$0xFFFFFFB0] =	vst v13;
	s24 =	smov.u32 s11  }
0x75: {  	s30 =	sadd.s32 $0x180, s28;
	v13 =	vadd.s32 s22, v0;
	s11 =	smov.u32 s8;
	v12 =	vld.idx.msk [tilespmem:v12+s5+$0x0], $0xffff;
	[tilespmem:s8+$0x40] =	vst v18;
	v18 =	vadd.s32 s13, v3  }
0x76: {  	v25 =	vadd.s32 s16, v1;
	v24 =	vadd.s32 s30, v0;
	v21 =	vld.idx.msk [tilespmem:v21+s5+$0x0], $0xffff;
	[tilespmem:s31+$0xA000] =	vst v14  }
0x77: {  	v14 =	vld.idx.msk [tilespmem:v20+s5+$0x0], $0xffff;
	[tilespmem:s4+$0xA000] =	vst v17;
	v17 =	vadd.s32 s10, v6  }
0x78: {  	v20 =	vadd.s32 s25, v1;
	v26 =	vld.idx.msk [tilespmem:v9+s5+$0x0], $0xffff;
	[tilespmem:s23+$0xA000] =	vst v15;
	v9 =	vmov v8;
	v8 =	vmov v23  }
0x79: {  	v15 =	vld.idx.msk [tilespmem:v22+s5+$0x0], $0xffff;
	[tilespmem:s8+$0x0] =	vst v11;
	v11 =	vadd.s32 s1, v6  }
0x7a: {  	v23 =	vadd.s32 s7, v6;
	v22 =	vadd.s32 s28, v4;
	[tilespmem:s8+$0xFFFFFFC0] =	vst v10;
	v18 =	vld.idx.msk [tilespmem:v18+s5+$0x0], $0xffff  }
0x7b: {  	s31 =	sor.u32 $0x50, s17;
	v10 =	vadd.s32 s9, v4;
	v25 =	vld.idx.msk [tilespmem:v25+s5+$0x0], $0xffff;
	[tilespmem:s12+$0x20] =	vst v19  }
0x7c: {  	v19 =	vadd.s32 s22, v4;
	[tilespmem:s31+$0x8000] =	vst v21;
	v21 =	vadd.s32 s21, v5;
	v17 =	vld.idx.msk [tilespmem:v17+s5+$0x0], $0xffff  }
0x7d: {  	v28 =	vadd.s32 s16, v5;
	s2 =	sadd.s32 $0x100, s2;
	s6 =	sor.u32 $0x60, s0;
	v27 =	vadd.s32 s30, v4;
	v20 =	vld.idx.msk [tilespmem:v20+s5+$0x0], $0xffff;
	[tilespmem:s12+$0xFFFFFFA0] =	vst v14  }
0x7e: {  	v11 =	vld.idx.msk [tilespmem:v11+s5+$0x0], $0xffff;
	[tilespmem:s6+$0x8000] =	vst v26  }
0x7f: {  	s29 =	sor.u32 $0x70, s26;
	s26 =	smov.u32 s17;
	[tilespmem:s2+$0xFFFFFF80] =	vst v15;
	v14 =	vld.idx.msk [tilespmem:v23+s5+$0x0], $0xffff  }
0x80: {  	v15 =	vadd.s32 s1, v3;
	v13 =	vld.idx.msk [tilespmem:v13+s5+$0x0], $0xffff;
	[tilespmem:s29+$0x8000] =	vst v18  }
0x81: {  	s23 =	sadd.s32 $0xFFFFFF80, s17;
	[tilespmem:s3+$0x10] =	vst v25;
	v18 =	vld.idx.msk [tilespmem:v21+s5+$0x0], $0xffff;
	v21 =	vadd.s32 s10, v3  }
0x82: {  	s4 =	sor.u32 $0x50, s23;
	v23 =	vadd.s32 s14, v5;
	v25 =	vld.idx.msk [tilespmem:v28+s5+$0x0], $0xffff;
	[tilespmem:s24+$0x20] =	vst v17  }
0x83: {  	v17 =	vld.idx.msk [tilespmem:v24+s5+$0x0], $0xffff;
	[tilespmem:s4+$0x8000] =	vst v20;
	v20 =	vadd.s32 s21, v2  }
0x84: {  	s8 =	sadd.s32 $0x100, s8;
	v22 =	vld.idx.msk [tilespmem:v22+s5+$0x0], $0xffff;
	[tilespmem:s24+$0xFFFFFFA0] =	vst v11;
	v11 =	vadd.s32 s7, v3  }
0x85: {  	v15 =	vld.idx.msk [tilespmem:v15+s5+$0x0], $0xffff;
	[tilespmem:s6+$0xA000] =	vst v14  }
0x86: {  	[tilespmem:s3+$0xFFFFFF90] =	vst v12;
	v12 =	vld.idx.msk [tilespmem:v21+s5+$0x0], $0xffff  }
0x87: {  	v14 =	vld.idx.msk [tilespmem:v23+s5+$0x0], $0xffff;
	[tilespmem:s31+$0xA000] =	vst v18;
	v18 =	vadd.s32 s13, v7;
	s13 =	smov.u32 s21;
	s21 =	smov.u32 s30  }
0x88: {  	[tilespmem:s2+$0x0] =	vst v13;
	v20 =	vld.idx.msk [tilespmem:v20+s5+$0x0], $0xffff;
	v13 =	vadd.s32 s10, v7;
	s10 =	smov.u32 s16;
	s16 =	smov.u32 s22  }
0x89: {  	v21 =	vadd.s32 s1, v7;
	s1 =	smov.u32 s14;
	s14 =	smov.u32 s28;
	[tilespmem:s11+$0x10] =	vst v25;
	v23 =	vld.idx.msk [tilespmem:v11+s5+$0x0], $0xffff  }
0x8a: {  	s17 =	sadd.s32 $0x100, s17;
	[tilespmem:s8+$0xFFFFFF80] =	vst v22;
	v22 =	vld.idx.msk [tilespmem:v16+s5+$0x0], $0xffff  }
0x8b: {  	v11 =	vld.idx.msk [tilespmem:v19+s5+$0x0], $0xffff;
	[tilespmem:s12+$0xFFFFFFB0] =	vst v15;
	v15 =	vadd.s32 s7, v7;
	s7 =	smov.u32 s25;
	s25 =	smov.u32 s9  }
0x8c: {  	v24 =	vadd.s32 s7, v5;
	[tilespmem:s12+$0x30] =	vst v12;
	v25 =	vld.idx.msk [tilespmem:v18+s5+$0x0], $0xffff;
	s12 =	smov.u32 s3;
	s3 =	smov.u32 s2  }
0x8d: {  	v26 =	vadd.s32 s13, v6;
	[tilespmem:s11+$0xFFFFFF90] =	vst v14;
	v16 =	vld.idx.msk [tilespmem:v13+s5+$0x0], $0xffff  }
.Ltmp0:
0x8e: {  	s31 =	sor.u32 $0x70, s0;
	s0 =	smov.u32 s23;
	[tilespmem:s2+$0x40] =	vst v17;
	v13 =	vld.idx.msk [tilespmem:v21+s5+$0x0], $0xffff;
	(pc) =	sbr.rel @p1 .LBB2_3-.Ltmp0, $4  }
0x8f: {  	s23 =	sor.u32 $0x60, s26;
	v19 =	vadd.s32 s10, v2;
	v18 =	vld.idx.msk [tilespmem:v27+s5+$0x0], $0xffff;
	[tilespmem:s31+$0x8000] =	vst v23  }
0x90: {  	v12 =	vadd.s32 s28, v1;
	[tilespmem:s23+$0x8000] =	vst v20;
	v14 =	vld.idx.msk [tilespmem:v15+s5+$0x0], $0xffff  }
0x91: {  	v21 =	vadd.s32 s21, v1;
	[tilespmem:s2+$0xFFFFFFC0] =	vst v22;
	v17 =	vld.idx.msk [tilespmem:v24+s5+$0x0], $0xffff  }
0x92: {  	s28 =	sadd.s32 $0x200, s28;
	v20 =	vadd.s32 s1, v2;
	v15 =	vld.idx.msk [tilespmem:v26+s5+$0x0], $0xffff;
	[tilespmem:s29+$0xA000] =	vst v25  }
0x93: {  	_ =	sdelay $0x1  }
0x94: {  	[tilespmem:s24+$0x30] =	vst v16  }
0x95: {  	[tilespmem:s24+$0xFFFFFFB0] =	vst v13  }
0x96: {  	v10 =	vld.idx.msk [tilespmem:v10+s5+$0x0], $0xffff;
	v62 =	vadd.s32 s16, v1;
	[tilespmem:s8+$0x0] =	vst v11  }
0x97: {  	v23 =	vld.idx.msk [tilespmem:v19+s5+$0x0], $0xffff;
	v25 =	vadd.s32 s13, v3;
	[tilespmem:s8+$0x40] =	vst v18  }
0x98: {  	v61 =	vadd.s32 s25, v1;
	v12 =	vld.idx.msk [tilespmem:v12+s5+$0x0], $0xffff;
	[tilespmem:s31+$0xA000] =	vst v14  }
0x99: {  	v29 =	vadd.s32 s10, v6;
	v18 =	vld.idx.msk [tilespmem:v21+s5+$0x0], $0xffff;
	[tilespmem:s4+$0xA000] =	vst v17  }
0x9a: {  	v22 =	vadd.s32 s21, v5;
	[tilespmem:s23+$0xA000] =	vst v15;
	v9 =	vld.idx.msk [tilespmem:v9+s5+$0x0], $0xffff  }
0x9b: {  	[tilespmem:s8+$0xFFFFFFC0] =	vst v10;
	v13 =	vld.idx.msk [tilespmem:v62+s5+$0x0], $0xffff  }
0x9c: {  	v30 =	vadd.s32 s7, v6;
	[tilespmem:s12+$0x20] =	vst v23;
	v31 =	vld.idx.msk [tilespmem:v25+s5+$0x0], $0xffff  }
0x9d: {  	s6 =	sor.u32 $0x50, s17;
	v26 =	vadd.s32 s16, v5;
	[tilespmem:s3+$0xFFFFFF90] =	vst v12;
	v10 =	vld.idx.msk [tilespmem:v61+s5+$0x0], $0xffff  }
0x9e: {  	v27 =	vadd.s32 s14, v5;
	s29 =	sor.u32 $0x60, s0;
	v35 =	vld.idx.msk [tilespmem:v29+s5+$0x0], $0xffff;
	[tilespmem:s6+$0x8000] =	vst v18  }
0x9f: {  	v21 =	vadd.s32 s25, v5;
	v63 =	vld.idx.msk [tilespmem:v22+s5+$0x0], $0xffff;
	[tilespmem:s29+$0x8000] =	vst v9  }
0xa0: {  	s2 =	sadd.s32 $0xFFFFFF80, s17;
	s30 =	sor.u32 $0x70, s26;
	v40 =	vadd.s32 s13, v7;
	v22 =	vld.idx.msk [tilespmem:v20+s5+$0x0], $0xffff;
	[tilespmem:s3+$0x10] =	vst v13  }
0xa1: {  	v24 =	vadd.s32 s1, v6;
	s28 =	sor.u32 $0x50, s2;
	v37 =	vld.idx.msk [tilespmem:v30+s5+$0x0], $0xffff;
	[tilespmem:s30+$0x8000] =	vst v31  }
0xa2: {  	v33 =	vadd.s32 s21, v2;
	[tilespmem:s28+$0x8000] =	vst v10;
	v13 =	vld.idx.msk [tilespmem:v26+s5+$0x0], $0xffff  }
0xa3: {  	v34 =	vadd.s32 s16, v2;
	v10 =	vld.idx.msk [tilespmem:v27+s5+$0x0], $0xffff;
	[tilespmem:s11+$0x20] =	vst v35  }
0xa4: {  	v36 =	vadd.s32 s14, v2;
	v28 =	vld.idx.msk [tilespmem:v21+s5+$0x0], $0xffff;
	[tilespmem:s6+$0xA000] =	vst v63  }
0xa5: {  	v18 =	vld.idx.msk [tilespmem:v40+s5+$0x0], $0xffff;
	[tilespmem:s12+$0xFFFFFFA0] =	vst v22  }
0xa6: {  	v38 =	vadd.s32 s10, v3;
	v11 =	vld.idx.msk [tilespmem:v24+s5+$0x0], $0xffff;
	[tilespmem:s29+$0xA000] =	vst v37  }
0xa7: {  	v32 =	vadd.s32 s1, v3;
	v15 =	vld.idx.msk [tilespmem:v33+s5+$0x0], $0xffff;
	[tilespmem:s8+$0x10] =	vst v13  }
0xa8: {  	v41 =	vadd.s32 s21, v6;
	[tilespmem:s8+$0xFFFFFF90] =	vst v10;
	v12 =	vld.idx.msk [tilespmem:v34+s5+$0x0], $0xffff  }
0xa9: {  	v42 =	vadd.s32 s16, v6;
	[tilespmem:s28+$0xA000] =	vst v28;
	v9 =	vld.idx.msk [tilespmem:v36+s5+$0x0], $0xffff  }
0xaa: {  	v43 =	vadd.s32 s14, v6;
	[tilespmem:s30+$0xA000] =	vst v18;
	v8 =	vld.idx.msk [tilespmem:v8+s5+$0x0], $0xffff  }
0xab: {  	v44 =	vadd.s32 s25, v6;
	s31 =	sor.u32 $0x60, s17;
	[tilespmem:s11+$0xFFFFFFA0] =	vst v11;
	v11 =	vld.idx.msk [tilespmem:v38+s5+$0x0], $0xffff  }
0xac: {  	v45 =	vadd.s32 s7, v3;
	[tilespmem:s31+$0x8000] =	vst v15;
	v39 =	vld.idx.msk [tilespmem:v32+s5+$0x0], $0xffff  }
0xad: {  	v10 =	vld.idx.msk [tilespmem:v41+s5+$0x0], $0xffff;
	[tilespmem:s3+$0x20] =	vst v12  }
0xae: {  	v46 =	vadd.s32 s10, v7;
	s9 =	sor.u32 $0x60, s2;
	[tilespmem:s3+$0xFFFFFFA0] =	vst v9;
	v13 =	vld.idx.msk [tilespmem:v42+s5+$0x0], $0xffff  }
0xaf: {  	v47 =	vadd.s32 s21, v3;
	v9 =	vld.idx.msk [tilespmem:v43+s5+$0x0], $0xffff;
	[tilespmem:s9+$0x8000] =	vst v8  }
0xb0: {  	v8 =	vadd.s32 s16, v3;
	[tilespmem:s12+$0x30] =	vst v11;
	v48 =	vld.idx.msk [tilespmem:v44+s5+$0x0], $0xffff  }
0xb1: {  	v49 =	vadd.s32 s14, v3;
	v50 =	vld.idx.msk [tilespmem:v45+s5+$0x0], $0xffff;
	[tilespmem:s12+$0xFFFFFFB0] =	vst v39  }
0xb2: {  	v51 =	vadd.s32 s25, v3;
	[tilespmem:s31+$0xA000] =	vst v10  }
0xb3: {  	v53 =	vld.idx.msk [tilespmem:v46+s5+$0x0], $0xffff;
	[tilespmem:s8+$0x20] =	vst v13  }
0xb4: {  	v52 =	vadd.s32 s1, v7;
	v12 =	vld.idx.msk [tilespmem:v47+s5+$0x0], $0xffff;
	[tilespmem:s8+$0xFFFFFFA0] =	vst v9  }
0xb5: {  	v54 =	vadd.s32 s7, v7;
	s13 =	sor.u32 $0x70, s0;
	v8 =	vld.idx.msk [tilespmem:v8+s5+$0x0], $0xffff;
	[tilespmem:s9+$0xA000] =	vst v48  }
0xb6: {  	v55 =	vadd.s32 s21, v7;
	v9 =	vld.idx.msk [tilespmem:v49+s5+$0x0], $0xffff;
	s7 =	rddreg [dreg:$0xf];
	[tilespmem:s13+$0x8000] =	vst v50  }
0xb7: {  	v56 =	vadd.s32 s16, v7;
	v58 =	vld.idx.msk [tilespmem:v51+s5+$0x0], $0xffff;
	s15 =	sshll.u32 s7, $0x8;
	s4 =	rddreg [dreg:$0x6]  }
0xb8: {  	v57 =	vadd.s32 s14, v7;
	s17 =	sor.u32 $0x70, s17;
	s16 =	sand.u32 $0x1F, s7;
	[tilespmem:s11+$0x30] =	vst v53;
	s1 =	sadd.s32 s4, s15  }
0xb9: {  	v59 =	vadd.s32 s25, v7;
	v18 =	vld.idx.msk [tilespmem:v52+s5+$0x0], $0xffff;
	[tilespmem:s17+$0x8000] =	vst v12;
	p2 =	sne.s32 s16, $0x0;
	p1 =	seq.s32 s1, $0x0  }
0xba: {  	v60 =	vld.idx.msk [tilespmem:v54+s5+$0x0], $0xffff;
	p1 =	por !p2, !p1;
	[tilespmem:s3+$0x30] =	vst v8  }
0xbb: {  	s2 =	sor.u32 $0x70, s2;
	s4 =	simm.s32 $0x1;
	v8 =	vld.idx.msk [tilespmem:v55+s5+$0x0], $0xffff;
	[tilespmem:s3+$0xFFFFFFB0] =	vst v9;
	p1 =	por !p1, !p1  }
0xbc: {  	s1 =	sshrl.u32 s1, $0xD;
	v61 =	vld.idx.msk [tilespmem:v56+s5+$0x0], $0xffff;
	[tilespmem:s2+$0x8000] =	vst v58;
	s4 =	simm.s32 @!p1 $0x0  }
0xbd: {  	v62 =	vld.idx.msk [tilespmem:v57+s5+$0x0], $0xffff;
	[dreg:$0x13] =	wrdreg s1;
	s1 =	ssub.s32 s1, s4  }
0xbe: {  	s22 =	sshll.u32 s7, $0x11;
	[tilespmem:s11+$0xFFFFFFB0] =	vst v18;
	v63 =	vld.idx.msk [tilespmem:v59+s5+$0x0], $0xffff;
	s21 =	sshll.u32 s1, $0x13  }
0xbf: {  	s24 =	sand.u32 $0x3E0000, s22;
	[tilespmem:s13+$0xA000] =	vst v60;
	s1 =	sshll.u32 s1, $0x7;
	s23 =	sand.u32 $0xFFC00000, s21  }
0xc0: {  	s26 =	simm.s32 $0x80;
	[tilespmem:s17+$0xA000] =	vst v8;
	s1 =	sand.u32 $0x380, s1;
	s0 =	sor.u32 s24, s23  }
0xc1: {  	s25 =	rddreg [dreg:$0x2];
	p1 =	sne.s32 s7, $0x3F;
	[tilespmem:s8+$0x30] =	vst v61;
	s0 =	sor.u32 s1, s0  }
.Ltmp1:
0xc2: {  	s29 =	simm.s32 $0x8000;
	[tilespmem:s8+$0xFFFFFFB0] =	vst v62;
	s0 =	sshrl.u32 s0, $0x3;
	(pc) =	sbr.rel @p1 .LBB2_6-.Ltmp1, $4  }
0xc3: {  	s30 =	rddreg [dreg:$0x3];
	s28 =	simm.s32 $0x400;
	[tilespmem:s2+$0xA000] =	vst v63;
	s1 =	sadd.s32 s25, s0  }
0xc4: {  	[hbm4b:s1+s26] =	stream.strided.scatter [tilespmem:s29], [sflag:$0x5], $0x1000, s28, s26, $0x38;
	[tilespmem:$0xC100] =	vst v63  }
0xc5: {  	s31 =	simm.s32 $0xA000;
	s0 =	sadd.s32 s30, s0  }
0xc6: {  	[hbm4b:s0+s26] =	stream.strided.scatter [tilespmem:s31], [sflag:$0x7], $0x1000, s28, s26, $0x38;
	[tilespmem:$0xC100] =	vst v63  }
.Ltmp2:
0xc7: {  	(pc) =	sbr.rel .LBB2_7-.Ltmp2, $4  }
0xc8: {  	s0 =	simm.s32 $0x2  }
0xc9: {  	_ =	swait.ge [sflag:s0], $0x2000  }
0xca: {  	[sflag:s0] =	ssyncset.done $0x0  }
0xcb: {  	[sflag:s0] =	ssyncadd.s32 $0xFFFFE000  }
.LBB2_6:
0xcc: {  	s0 =	sshll.u32 s7, $0xC;
	s1 =	rddreg [dreg:$0xa]  }
.Ltmp3:
0xcd: {  	s31 =	simm.s32 $0x2;
	s0 =	sadd.s32 s0, s1;
	(pc) =	sbr.rel @p0 .LBB2_8-.Ltmp3, $4  }
0xce: {  	[tilespmem:s5], [sflag:$0x1] =	stream.linear.gather [hbm4b:s0+s5], $0x2000, $0x38;
	[tilespmem:$0xC100] =	vst v63  }
0xcf: {  	_ =	swait.ge [sflag:s31], $0x2000  }
0xd0: {  	[sflag:s31] =	ssyncset.done $0x0  }
0xd1: {  	[sflag:s31] =	ssyncadd.s32 $0xFFFFE000  }
.LBB2_7:
0xd2: {  	s0 =	simm.s32 $0x6  }
0xd3: {  	_ =	swait.ge [sflag:s0], $0x1000  }
0xd4: {  	[sflag:s0] =	ssyncset.done $0x0  }
0xd5: {  	s31 =	simm.s32 $0x8;
	[sflag:s0] =	ssyncadd.s32 $0xFFFFF000  }
0xd6: {  	_ =	swait.ge [sflag:s31], $0x1000  }
0xd7: {  	[sflag:s31] =	ssyncset.done $0x0  }
0xd8: {  	[sflag:s31] =	ssyncadd.s32 $0xFFFFF000  }
.LBB2_8:
0xd9: {  	s21 =	simm.s32 $0x180  }
0xda: {  	v8 =	vadd.s32 s21, v0  }
0xdb: {  	s15 =	simm.s32 $0x100  }
0xdc: {  	s9 =	simm.s32 $0x0;
	v9 =	vadd.s32 s15, v0  }
0xdd: {  	v10 =	vadd.s32 s9, v0;
	_ =	sdelay $0x1  }
0xde: {  	v8 =	vld.idx.msk [tilespmem:v8+s18+$0x0], $0xffff  }
0xdf: {  	s3 =	simm.s32 $0x80;
	v11 =	vadd.s32 s21, v4  }
0xe0: {  	v12 =	vadd.s32 s3, v0;
	v9 =	vld.idx.msk [tilespmem:v9+s18+$0x0], $0xffff  }
0xe1: {  	v13 =	vadd.s32 s15, v4;
	v10 =	vld.idx.msk [tilespmem:v10+s18+$0x0], $0xffff  }
0xe2: {  	s4 =	simm.s32 $0x9080;
	v14 =	vadd.s32 s9, v4  }
0xe3: {  	[tilespmem:s4+$0x40] =	vst v8  }
0xe4: {  	v8 =	vld.idx.msk [tilespmem:v11+s18+$0x0], $0xffff  }
0xe5: {  	[tilespmem:s4+$0x0] =	vst v9;
	v11 =	vld.idx.msk [tilespmem:v12+s18+$0x0], $0xffff;
	v12 =	vadd.s32 s21, v1  }
0xe6: {  	v15 =	vadd.s32 s3, v4;
	[tilespmem:s4+$0xFFFFFF80] =	vst v10;
	v9 =	vld.idx.msk [tilespmem:v13+s18+$0x0], $0xffff  }
0xe7: {  	v10 =	vld.idx.msk [tilespmem:v14+s18+$0x0], $0xffff;
	v13 =	vadd.s32 s15, v1  }
0xe8: {  	s25 =	simm.s32 $0xB080;
	v14 =	vadd.s32 s9, v1  }
0xe9: {  	[tilespmem:s25+$0x40] =	vst v8  }
0xea: {  	s1 =	simm.s32 $0x200;
	[tilespmem:s4+$0xFFFFFFC0] =	vst v11;
	v11 =	vld.idx.msk [tilespmem:v12+s18+$0x0], $0xffff  }
0xeb: {  	s7 =	simm.s32 $0x300;
	v8 =	vadd.s32 s1, v0;
	[tilespmem:s25+$0x0] =	vst v9;
	v12 =	vld.idx.msk [tilespmem:v15+s18+$0x0], $0xffff  }
0xec: {  	s10 =	simm.s32 $0x280;
	[tilespmem:s25+$0xFFFFFF80] =	vst v10;
	v9 =	vadd.s32 s7, v0;
	v10 =	vld.idx.msk [tilespmem:v13+s18+$0x0], $0xffff  }
0xed: {  	v18 =	vadd.s32 s10, v0;
	v13 =	vld.idx.msk [tilespmem:v14+s18+$0x0], $0xffff  }
0xee: {  	s0 =	simm.s32 $0xC0;
	v15 =	vadd.s32 s21, v5  }
0xef: {  	v16 =	vadd.s32 s3, v1;
	s2 =	sor.u32 $0x50, s0  }
0xf0: {  	v8 =	vld.idx.msk [tilespmem:v8+s18+$0x0], $0xffff;
	[tilespmem:s2+$0x9000] =	vst v11  }
0xf1: {  	s11 =	simm.s32 $0x380;
	v14 =	vadd.s32 s15, v5;
	v9 =	vld.idx.msk [tilespmem:v9+s18+$0x0], $0xffff;
	[tilespmem:s25+$0xFFFFFFC0] =	vst v12  }
0xf2: {  	v17 =	vadd.s32 s11, v0;
	[tilespmem:s4+$0xFFFFFF90] =	vst v13;
	v13 =	vld.idx.msk [tilespmem:v18+s18+$0x0], $0xffff  }
0xf3: {  	[tilespmem:s4+$0x10] =	vst v10;
	v10 =	vadd.s32 s9, v5;
	v12 =	vld.idx.msk [tilespmem:v15+s18+$0x0], $0xffff  }
0xf4: {  	v15 =	vld.idx.msk [tilespmem:v16+s18+$0x0], $0xffff;
	v16 =	vadd.s32 s21, v2  }
0xf5: {  	s12 =	simm.s32 $0x9180;
	v11 =	vadd.s32 s1, v4  }
0xf6: {  	v19 =	vadd.s32 s7, v4;
	v14 =	vld.idx.msk [tilespmem:v14+s18+$0x0], $0xffff;
	[tilespmem:s12+$0xFFFFFF80] =	vst v8  }
0xf7: {  	v20 =	vadd.s32 s10, v4;
	v8 =	vld.idx.msk [tilespmem:v17+s18+$0x0], $0xffff;
	[tilespmem:s12+$0x0] =	vst v9  }
0xf8: {  	s22 =	simm.s32 $0x40;
	v17 =	vadd.s32 s11, v4;
	v10 =	vld.idx.msk [tilespmem:v10+s18+$0x0], $0xffff;
	[tilespmem:s2+$0xB000] =	vst v12  }
0xf9: {  	s26 =	sor.u32 $0x50, s22;
	[tilespmem:s12+$0xFFFFFFC0] =	vst v13;
	v12 =	vld.idx.msk [tilespmem:v16+s18+$0x0], $0xffff;
	v16 =	vadd.s32 s3, v5  }
0xfa: {  	v11 =	vld.idx.msk [tilespmem:v11+s18+$0x0], $0xffff;
	v13 =	vadd.s32 s9, v2;
	[tilespmem:s26+$0x9000] =	vst v15  }
0xfb: {  	v18 =	vadd.s32 s21, v6;
	v9 =	vld.idx.msk [tilespmem:v19+s18+$0x0], $0xffff;
	[tilespmem:s25+$0x10] =	vst v14  }
0xfc: {  	v14 =	vld.idx.msk [tilespmem:v20+s18+$0x0], $0xffff;
	[tilespmem:s12+$0x40] =	vst v8;
	v8 =	vadd.s32 s15, v2  }
0xfd: {  	s6 =	sor.u32 $0x60, s0;
	v15 =	vld.idx.msk [tilespmem:v17+s18+$0x0], $0xffff;
	v17 =	vadd.s32 s1, v1;
	[tilespmem:s25+$0xFFFFFF90] =	vst v10  }
0xfe: {  	s13 =	simm.s32 $0xB180;
	s16 =	simm.s32 $0x400;
	[tilespmem:s6+$0x9000] =	vst v12;
	v12 =	vadd.s32 s11, v1;
	v16 =	vld.idx.msk [tilespmem:v16+s18+$0x0], $0xffff  }
0xff: {  	[tilespmem:s13+$0xFFFFFF80] =	vst v11;
	v11 =	vadd.s32 s16, v0;
	v13 =	vld.idx.msk [tilespmem:v13+s18+$0x0], $0xffff  }
0x100: {  	v19 =	vadd.s32 s3, v2;
	v18 =	vld.idx.msk [tilespmem:v18+s18+$0x0], $0xffff  }
0x101: {  	v10 =	vadd.s32 s7, v1;
	v8 =	vld.idx.msk [tilespmem:v8+s18+$0x0], $0xffff  }
0x102: {  	v17 =	vld.idx.msk [tilespmem:v17+s18+$0x0], $0xffff;
	[tilespmem:s13+$0x40] =	vst v15;
	v15 =	vadd.s32 s21, v3  }
0x103: {  	v12 =	vld.idx.msk [tilespmem:v12+s18+$0x0], $0xffff;
	[tilespmem:s26+$0xB000] =	vst v16;
	v16 =	vadd.s32 s15, v6  }
0x104: {  	v20 =	vadd.s32 s10, v1;
	[tilespmem:s13+$0x0] =	vst v9;
	v11 =	vld.idx.msk [tilespmem:v11+s18+$0x0], $0xffff  }
0x105: {  	v9 =	vadd.s32 s9, v6;
	[tilespmem:s13+$0xFFFFFFC0] =	vst v14;
	v19 =	vld.idx.msk [tilespmem:v19+s18+$0x0], $0xffff  }
0x106: {  	s17 =	simm.s32 $0x1C0;
	v14 =	vadd.s32 s3, v6;
	v10 =	vld.idx.msk [tilespmem:v10+s18+$0x0], $0xffff;
	[tilespmem:s6+$0xB000] =	vst v18  }
0x107: {  	s24 =	simm.s32 $0x500;
	s29 =	sor.u32 $0x50, s17;
	[tilespmem:s4+$0x20] =	vst v8;
	v8 =	vadd.s32 s11, v5;
	v15 =	vld.idx.msk [tilespmem:v15+s18+$0x0], $0xffff  }
0x108: {  	v18 =	vadd.s32 s24, v0;
	[tilespmem:s29+$0x9000] =	vst v12;
	v12 =	vld.idx.msk [tilespmem:v16+s18+$0x0], $0xffff  }
0x109: {  	s8 =	simm.s32 $0x580;
	s14 =	sor.u32 $0x60, s22;
	[tilespmem:s4+$0xFFFFFFA0] =	vst v13;
	v16 =	vld.idx.msk [tilespmem:v20+s18+$0x0], $0xffff;
	v20 =	vadd.s32 s7, v5  }
0x10a: {  	s2 =	simm.s32 $0x9280;
	v13 =	vadd.s32 s8, v0;
	v9 =	vld.idx.msk [tilespmem:v9+s18+$0x0], $0xffff;
	[tilespmem:s14+$0x9000] =	vst v19  }
0x10b: {  	[tilespmem:s2+$0xFFFFFF80] =	vst v11;
	v19 =	vadd.s32 s16, v4;
	v11 =	vld.idx.msk [tilespmem:v14+s18+$0x0], $0xffff  }
0x10c: {  	s23 =	sor.u32 $0x70, s0;
	[tilespmem:s12+$0x10] =	vst v10;
	v10 =	vadd.s32 s15, v3;
	v8 =	vld.idx.msk [tilespmem:v8+s18+$0x0], $0xffff  }
0x10d: {  	v14 =	vadd.s32 s9, v3;
	[tilespmem:s23+$0x9000] =	vst v15;
	v15 =	vld.idx.msk [tilespmem:v18+s18+$0x0], $0xffff  }
0x10e: {  	[tilespmem:s12+$0xFFFFFF90] =	vst v17;
	v18 =	vadd.s32 s1, v5;
	v20 =	vld.idx.msk [tilespmem:v20+s18+$0x0], $0xffff  }
0x10f: {  	s0 =	simm.s32 $0x140;
	[tilespmem:s25+$0x20] =	vst v12;
	v12 =	vld.idx.msk [tilespmem:v13+s18+$0x0], $0xffff;
	v13 =	vadd.s32 s11, v2  }
0x110: {  	s26 =	sor.u32 $0x50, s0;
	[tilespmem:s25+$0xFFFFFFA0] =	vst v9;
	v9 =	vld.idx.msk [tilespmem:v19+s18+$0x0], $0xffff;
	v19 =	vadd.s32 s3, v3  }
0x111: {  	v17 =	vadd.s32 s21, v7;
	[tilespmem:s26+$0x9000] =	vst v16;
	v10 =	vld.idx.msk [tilespmem:v10+s18+$0x0], $0xffff  }
0x112: {  	s30 =	simm.s32 $0x480;
	v23 =	vadd.s32 s10, v5;
	[tilespmem:s14+$0xB000] =	vst v11;
	v14 =	vld.idx.msk [tilespmem:v14+s18+$0x0], $0xffff  }
0x113: {  	v11 =	vadd.s32 s30, v0;
	[tilespmem:s29+$0xB000] =	vst v8;
	v16 =	vld.idx.msk [tilespmem:v18+s18+$0x0], $0xffff  }
0x114: {  	[tilespmem:s2+$0x0] =	vst v15;
	v18 =	vadd.s32 s9, v7;
	v15 =	vld.idx.msk [tilespmem:v13+s18+$0x0], $0xffff  }
0x115: {  	v13 =	vadd.s32 s15, v7;
	[tilespmem:s13+$0x10] =	vst v20;
	v19 =	vld.idx.msk [tilespmem:v19+s18+$0x0], $0xffff  }
0x116: {  	v21 =	vadd.s32 s3, v7;
	v24 =	vld.idx.msk [tilespmem:v17+s18+$0x0], $0xffff;
	[tilespmem:s2+$0x40] =	vst v12  }
0x117: {  	v17 =	vld.idx.msk [tilespmem:v23+s18+$0x0], $0xffff;
	v20 =	vadd.s32 s8, v4;
	[tilespmem:s4+$0x30] =	vst v10  }
0x118: {  	v8 =	vadd.s32 s24, v4;
	v22 =	vld.idx.msk [tilespmem:v11+s18+$0x0], $0xffff;
	[tilespmem:s4+$0xFFFFFFB0] =	vst v14  }
0x119: {  	v25 =	vadd.s32 s11, v6;
	s14 =	sor.u32 $0x70, s22;
	[tilespmem:s13+$0xFFFFFF90] =	vst v16;
	v14 =	vld.idx.msk [tilespmem:v18+s18+$0x0], $0xffff  }
0x11a: {  	s31 =	sor.u32 $0x60, s17;
	v10 =	vadd.s32 s30, v4;
	v16 =	vld.idx.msk [tilespmem:v13+s18+$0x0], $0xffff;
	[tilespmem:s14+$0x9000] =	vst v19  }
0x11b: {  	[tilespmem:s31+$0x9000] =	vst v15;
	v15 =	vld.idx.msk [tilespmem:v21+s18+$0x0], $0xffff;
	v21 =	vadd.s32 s7, v2  }
0x11c: {  	s21 =	simm.s32 $0xB280;
	[tilespmem:s23+$0xB000] =	vst v24;
	v12 =	vadd.s32 s16, v1;
	v13 =	vld.idx.msk [tilespmem:v20+s18+$0x0], $0xffff  }
0x11d: {  	s28 =	simm.s32 $0x600;
	[tilespmem:s21+$0xFFFFFF80] =	vst v9;
	v9 =	vadd.s32 s10, v2;
	v11 =	vld.idx.msk [tilespmem:v8+s18+$0x0], $0xffff;
	v19 =	vadd.s32 s8, v1  }
0x11e: {  	s3 =	simm.s32 $0x2C0;
	s15 =	simm.s32 $0x9280;
	v8 =	vadd.s32 s30, v2;
	s4 =	simm.s32 $0x8;
	v20 =	vadd.s32 s1, v2;
	v18 =	vld.idx.msk [tilespmem:v25+s18+$0x0], $0xffff;
	[tilespmem:s2+$0xFFFFFFC0] =	vst v22  }
.LBB2_9:
0x11f: {  	v22 =	vadd.s32 s28, v0;
	s9 =	sadd.s32 $0x80, s28;
	s4 =	sadd.s32 $0x4, s4;
	v10 =	vld.idx.msk [tilespmem:v10+s18+$0x0], $0xffff;
	[tilespmem:s25+$0x30] =	vst v16  }
0x120: {  	s22 =	sadd.s32 $0x100, s28;
	v16 =	vadd.s32 s9, v0;
	v23 =	vadd.s32 s9, v2;
	p0 =	slt.u32 s4, $0x3C;
	v21 =	vld.idx.msk [tilespmem:v21+s18+$0x0], $0xffff;
	[tilespmem:s25+$0xFFFFFFB0] =	vst v14;
	s25 =	smov.u32 s13  }
0x121: {  	s29 =	sadd.s32 $0x180, s28;
	v14 =	vadd.s32 s22, v0;
	s13 =	smov.u32 s21;
	v12 =	vld.idx.msk [tilespmem:v12+s18+$0x0], $0xffff;
	[tilespmem:s21+$0x40] =	vst v13;
	v13 =	vadd.s32 s11, v3  }
0x122: {  	v25 =	vadd.s32 s24, v1;
	v24 =	vadd.s32 s29, v0;
	v19 =	vld.idx.msk [tilespmem:v19+s18+$0x0], $0xffff;
	[tilespmem:s14+$0xB000] =	vst v15  }
0x123: {  	v15 =	vld.idx.msk [tilespmem:v20+s18+$0x0], $0xffff;
	[tilespmem:s26+$0xB000] =	vst v17;
	v17 =	vadd.s32 s7, v6  }
0x124: {  	v20 =	vadd.s32 s30, v1;
	v26 =	vld.idx.msk [tilespmem:v9+s18+$0x0], $0xffff;
	[tilespmem:s31+$0xB000] =	vst v18;
	v9 =	vmov v8;
	v8 =	vmov v23  }
0x125: {  	v18 =	vld.idx.msk [tilespmem:v22+s18+$0x0], $0xffff;
	[tilespmem:s21+$0x0] =	vst v11;
	v11 =	vadd.s32 s1, v6  }
0x126: {  	v23 =	vadd.s32 s10, v6;
	v22 =	vadd.s32 s28, v4;
	[tilespmem:s21+$0xFFFFFFC0] =	vst v10;
	v13 =	vld.idx.msk [tilespmem:v13+s18+$0x0], $0xffff  }
0x127: {  	s6 =	sor.u32 $0x50, s3;
	v10 =	vadd.s32 s9, v4;
	v25 =	vld.idx.msk [tilespmem:v25+s18+$0x0], $0xffff;
	[tilespmem:s12+$0x20] =	vst v21  }
0x128: {  	v21 =	vadd.s32 s22, v4;
	[tilespmem:s6+$0x9000] =	vst v19;
	v19 =	vadd.s32 s8, v5;
	v17 =	vld.idx.msk [tilespmem:v17+s18+$0x0], $0xffff  }
0x129: {  	v28 =	vadd.s32 s24, v5;
	s2 =	sadd.s32 $0x100, s2;
	v27 =	vadd.s32 s29, v4;
	s14 =	sor.u32 $0x60, s0;
	v20 =	vld.idx.msk [tilespmem:v20+s18+$0x0], $0xffff;
	[tilespmem:s12+$0xFFFFFFA0] =	vst v15  }
0x12a: {  	v11 =	vld.idx.msk [tilespmem:v11+s18+$0x0], $0xffff;
	[tilespmem:s14+$0x9000] =	vst v26  }
0x12b: {  	s23 =	sor.u32 $0x70, s17;
	s17 =	smov.u32 s3;
	[tilespmem:s2+$0xFFFFFF80] =	vst v18;
	v15 =	vld.idx.msk [tilespmem:v23+s18+$0x0], $0xffff  }
0x12c: {  	v18 =	vadd.s32 s1, v3;
	v14 =	vld.idx.msk [tilespmem:v14+s18+$0x0], $0xffff;
	[tilespmem:s23+$0x9000] =	vst v13  }
0x12d: {  	s31 =	sadd.s32 $0xFFFFFF80, s3;
	[tilespmem:s15+$0x10] =	vst v25;
	v13 =	vld.idx.msk [tilespmem:v19+s18+$0x0], $0xffff;
	v19 =	vadd.s32 s7, v3  }
0x12e: {  	s26 =	sor.u32 $0x50, s31;
	v23 =	vadd.s32 s16, v5;
	v25 =	vld.idx.msk [tilespmem:v28+s18+$0x0], $0xffff;
	[tilespmem:s25+$0x20] =	vst v17  }
0x12f: {  	v17 =	vld.idx.msk [tilespmem:v24+s18+$0x0], $0xffff;
	[tilespmem:s26+$0x9000] =	vst v20;
	v20 =	vadd.s32 s8, v2  }
0x130: {  	s21 =	sadd.s32 $0x100, s21;
	v22 =	vld.idx.msk [tilespmem:v22+s18+$0x0], $0xffff;
	[tilespmem:s25+$0xFFFFFFA0] =	vst v11;
	v11 =	vadd.s32 s10, v3  }
0x131: {  	v18 =	vld.idx.msk [tilespmem:v18+s18+$0x0], $0xffff;
	[tilespmem:s14+$0xB000] =	vst v15  }
0x132: {  	[tilespmem:s15+$0xFFFFFF90] =	vst v12;
	v12 =	vld.idx.msk [tilespmem:v19+s18+$0x0], $0xffff  }
0x133: {  	v15 =	vld.idx.msk [tilespmem:v23+s18+$0x0], $0xffff;
	[tilespmem:s6+$0xB000] =	vst v13;
	v13 =	vadd.s32 s11, v7;
	s11 =	smov.u32 s8;
	s8 =	smov.u32 s29  }
0x134: {  	[tilespmem:s2+$0x0] =	vst v14;
	v19 =	vld.idx.msk [tilespmem:v20+s18+$0x0], $0xffff;
	v14 =	vadd.s32 s7, v7;
	s7 =	smov.u32 s24;
	s24 =	smov.u32 s22  }
0x135: {  	v20 =	vadd.s32 s1, v7;
	s1 =	smov.u32 s16;
	s16 =	smov.u32 s28;
	[tilespmem:s13+$0x10] =	vst v25;
	v23 =	vld.idx.msk [tilespmem:v11+s18+$0x0], $0xffff  }
0x136: {  	s3 =	sadd.s32 $0x100, s3;
	[tilespmem:s21+$0xFFFFFF80] =	vst v22;
	v22 =	vld.idx.msk [tilespmem:v16+s18+$0x0], $0xffff  }
0x137: {  	v11 =	vld.idx.msk [tilespmem:v21+s18+$0x0], $0xffff;
	[tilespmem:s12+$0xFFFFFFB0] =	vst v18;
	v18 =	vadd.s32 s10, v7;
	s10 =	smov.u32 s30;
	s30 =	smov.u32 s9  }
0x138: {  	v24 =	vadd.s32 s10, v5;
	[tilespmem:s12+$0x30] =	vst v12;
	v25 =	vld.idx.msk [tilespmem:v13+s18+$0x0], $0xffff;
	s12 =	smov.u32 s15;
	s15 =	smov.u32 s2  }
0x139: {  	v26 =	vadd.s32 s11, v6;
	[tilespmem:s13+$0xFFFFFF90] =	vst v15;
	v16 =	vld.idx.msk [tilespmem:v14+s18+$0x0], $0xffff  }
.Ltmp4:
0x13a: {  	s14 =	sor.u32 $0x70, s0;
	s0 =	smov.u32 s31;
	[tilespmem:s2+$0x40] =	vst v17;
	v14 =	vld.idx.msk [tilespmem:v20+s18+$0x0], $0xffff;
	(pc) =	sbr.rel @p0 .LBB2_9-.Ltmp4, $4  }
0x13b: {  	s31 =	sor.u32 $0x60, s17;
	v21 =	vadd.s32 s7, v2;
	v13 =	vld.idx.msk [tilespmem:v27+s18+$0x0], $0xffff;
	[tilespmem:s14+$0x9000] =	vst v23  }
0x13c: {  	v12 =	vadd.s32 s28, v1;
	[tilespmem:s31+$0x9000] =	vst v19;
	v15 =	vld.idx.msk [tilespmem:v18+s18+$0x0], $0xffff  }
0x13d: {  	v19 =	vadd.s32 s8, v1;
	[tilespmem:s2+$0xFFFFFFC0] =	vst v22;
	v17 =	vld.idx.msk [tilespmem:v24+s18+$0x0], $0xffff  }
0x13e: {  	s28 =	sadd.s32 $0x200, s28;
	v20 =	vadd.s32 s1, v2;
	v18 =	vld.idx.msk [tilespmem:v26+s18+$0x0], $0xffff;
	[tilespmem:s23+$0xB000] =	vst v25  }
0x13f: {  	_ =	sdelay $0x1  }
0x140: {  	[tilespmem:s25+$0x30] =	vst v16  }
0x141: {  	[tilespmem:s25+$0xFFFFFFB0] =	vst v14  }
0x142: {  	v10 =	vld.idx.msk [tilespmem:v10+s18+$0x0], $0xffff;
	[tilespmem:s21+$0x40] =	vst v13;
	v13 =	vadd.s32 s11, v3  }
0x143: {  	v14 =	vld.idx.msk [tilespmem:v21+s18+$0x0], $0xffff;
	v16 =	vadd.s32 s24, v1;
	[tilespmem:s21+$0x0] =	vst v11  }
0x144: {  	[tilespmem:s14+$0xB000] =	vst v15;
	v15 =	vld.idx.msk [tilespmem:v19+s18+$0x0], $0xffff  }
0x145: {  	v19 =	vadd.s32 s30, v1;
	[tilespmem:s26+$0xB000] =	vst v17;
	v17 =	vld.idx.msk [tilespmem:v20+s18+$0x0], $0xffff  }
0x146: {  	[tilespmem:s31+$0xB000] =	vst v18;
	v18 =	vadd.s32 s7, v6;
	v9 =	vld.idx.msk [tilespmem:v9+s18+$0x0], $0xffff  }
0x147: {  	v11 =	vadd.s32 s1, v6;
	[tilespmem:s21+$0xFFFFFFC0] =	vst v10;
	v10 =	vld.idx.msk [tilespmem:v13+s18+$0x0], $0xffff  }
0x148: {  	s6 =	sor.u32 $0x50, s3;
	[tilespmem:s12+$0x20] =	vst v14;
	v14 =	vadd.s32 s8, v5;
	v13 =	vld.idx.msk [tilespmem:v16+s18+$0x0], $0xffff  }
0x149: {  	v12 =	vld.idx.msk [tilespmem:v12+s18+$0x0], $0xffff;
	[tilespmem:s6+$0x9000] =	vst v15;
	v15 =	vadd.s32 s24, v5  }
0x14a: {  	s9 =	sor.u32 $0x60, s0;
	v16 =	vld.idx.msk [tilespmem:v19+s18+$0x0], $0xffff;
	[tilespmem:s12+$0xFFFFFFA0] =	vst v17;
	v17 =	vadd.s32 s16, v5  }
0x14b: {  	s4 =	sor.u32 $0x70, s17;
	v18 =	vld.idx.msk [tilespmem:v18+s18+$0x0], $0xffff;
	[tilespmem:s9+$0x9000] =	vst v9;
	v9 =	vadd.s32 s30, v5  }
0x14c: {  	v19 =	vadd.s32 s10, v6;
	v11 =	vld.idx.msk [tilespmem:v11+s18+$0x0], $0xffff;
	[tilespmem:s4+$0x9000] =	vst v10  }
0x14d: {  	s2 =	sadd.s32 $0xFFFFFF80, s3;
	v10 =	vadd.s32 s1, v3;
	[tilespmem:s15+$0x10] =	vst v13;
	v13 =	vld.idx.msk [tilespmem:v14+s18+$0x0], $0xffff  }
0x14e: {  	s26 =	sor.u32 $0x50, s2;
	[tilespmem:s15+$0xFFFFFF90] =	vst v12;
	v14 =	vld.idx.msk [tilespmem:v15+s18+$0x0], $0xffff;
	v15 =	vadd.s32 s8, v2  }
0x14f: {  	[tilespmem:s26+$0x9000] =	vst v16;
	v16 =	vadd.s32 s24, v2;
	v12 =	vld.idx.msk [tilespmem:v17+s18+$0x0], $0xffff  }
0x150: {  	v17 =	vadd.s32 s16, v2;
	[tilespmem:s13+$0x20] =	vst v18;
	v9 =	vld.idx.msk [tilespmem:v9+s18+$0x0], $0xffff  }
0x151: {  	v18 =	vld.idx.msk [tilespmem:v19+s18+$0x0], $0xffff;
	[tilespmem:s13+$0xFFFFFFA0] =	vst v11  }
0x152: {  	v11 =	vadd.s32 s7, v3;
	v10 =	vld.idx.msk [tilespmem:v10+s18+$0x0], $0xffff;
	[tilespmem:s6+$0xB000] =	vst v13  }
0x153: {  	v13 =	vadd.s32 s10, v3;
	v15 =	vld.idx.msk [tilespmem:v15+s18+$0x0], $0xffff;
	[tilespmem:s21+$0x10] =	vst v14  }
0x154: {  	[tilespmem:s21+$0xFFFFFF90] =	vst v12;
	v12 =	vadd.s32 s8, v6;
	v14 =	vld.idx.msk [tilespmem:v16+s18+$0x0], $0xffff  }
0x155: {  	v16 =	vld.idx.msk [tilespmem:v17+s18+$0x0], $0xffff;
	[tilespmem:s26+$0xB000] =	vst v9;
	v9 =	vadd.s32 s24, v6  }
0x156: {  	[tilespmem:s9+$0xB000] =	vst v18;
	v17 =	vadd.s32 s16, v6;
	v8 =	vld.idx.msk [tilespmem:v8+s18+$0x0], $0xffff  }
0x157: {  	s17 =	sor.u32 $0x60, s3;
	v11 =	vld.idx.msk [tilespmem:v11+s18+$0x0], $0xffff;
	v18 =	vadd.s32 s11, v7;
	[tilespmem:s12+$0xFFFFFFB0] =	vst v10  }
0x158: {  	v10 =	vadd.s32 s30, v6;
	v13 =	vld.idx.msk [tilespmem:v13+s18+$0x0], $0xffff;
	[tilespmem:s17+$0x9000] =	vst v15  }
0x159: {  	v15 =	vadd.s32 s7, v7;
	v12 =	vld.idx.msk [tilespmem:v12+s18+$0x0], $0xffff;
	[tilespmem:s15+$0x20] =	vst v14  }
0x15a: {  	s22 =	sor.u32 $0x60, s2;
	v14 =	vadd.s32 s8, v3;
	v9 =	vld.idx.msk [tilespmem:v9+s18+$0x0], $0xffff;
	[tilespmem:s15+$0xFFFFFFA0] =	vst v16  }
0x15b: {  	v16 =	vld.idx.msk [tilespmem:v17+s18+$0x0], $0xffff;
	[tilespmem:s22+$0x9000] =	vst v8;
	v8 =	vadd.s32 s24, v3  }
0x15c: {  	s23 =	sor.u32 $0x70, s0;
	[tilespmem:s12+$0x30] =	vst v11;
	v17 =	vld.idx.msk [tilespmem:v18+s18+$0x0], $0xffff;
	v18 =	vadd.s32 s1, v7  }
0x15d: {  	v11 =	vadd.s32 s16, v3;
	v10 =	vld.idx.msk [tilespmem:v10+s18+$0x0], $0xffff;
	[tilespmem:s23+$0x9000] =	vst v13  }
0x15e: {  	v13 =	vadd.s32 s30, v3;
	v15 =	vld.idx.msk [tilespmem:v15+s18+$0x0], $0xffff;
	[tilespmem:s17+$0xB000] =	vst v12  }
0x15f: {  	v14 =	vld.idx.msk [tilespmem:v14+s18+$0x0], $0xffff;
	[tilespmem:s21+$0x20] =	vst v9  }
0x160: {  	v12 =	vadd.s32 s10, v7;
	[tilespmem:s21+$0xFFFFFFA0] =	vst v16;
	v8 =	vld.idx.msk [tilespmem:v8+s18+$0x0], $0xffff  }
0x161: {  	v9 =	vadd.s32 s8, v7;
	[tilespmem:s4+$0xB000] =	vst v17;
	v17 =	vld.idx.msk [tilespmem:v18+s18+$0x0], $0xffff  }
0x162: {  	v11 =	vld.idx.msk [tilespmem:v11+s18+$0x0], $0xffff;
	[tilespmem:s22+$0xB000] =	vst v10  }
0x163: {  	s25 =	sor.u32 $0x70, s3;
	v10 =	vadd.s32 s24, v7;
	v13 =	vld.idx.msk [tilespmem:v13+s18+$0x0], $0xffff;
	[tilespmem:s13+$0x30] =	vst v15  }
0x164: {  	[tilespmem:s25+$0x9000] =	vst v14  }
0x165: {  	v16 =	vadd.s32 s16, v7;
	v12 =	vld.idx.msk [tilespmem:v12+s18+$0x0], $0xffff;
	[tilespmem:s15+$0x30] =	vst v8  }
0x166: {  	v8 =	vld.idx.msk [tilespmem:v9+s18+$0x0], $0xffff;
	[tilespmem:s13+$0xFFFFFFB0] =	vst v17  }
0x167: {  	s2 =	sor.u32 $0x70, s2;
	v15 =	vadd.s32 s30, v7;
	[tilespmem:s15+$0xFFFFFFB0] =	vst v11  }
0x168: {  	v9 =	vld.idx.msk [tilespmem:v10+s18+$0x0], $0xffff;
	[tilespmem:s2+$0x9000] =	vst v13  }
0x169: {  	s26 =	rddreg [dreg:$0x13]  }
0x16a: {  	v10 =	vld.idx.msk [tilespmem:v16+s18+$0x0], $0xffff;
	s6 =	rddreg [dreg:$0xf];
	[tilespmem:s23+$0xB000] =	vst v12;
	s7 =	sshll.u32 s26, $0x10  }
0x16b: {  	s10 =	sand.u32 $0xFF80000, s7;
	[tilespmem:s25+$0xB000] =	vst v8  }
0x16c: {  	v11 =	vld.idx.msk [tilespmem:v15+s18+$0x0], $0xffff;
	s9 =	sshll.u32 s6, $0xE;
	s12 =	sshll.u32 s26, $0x4;
	[dreg:$0x11] =	wrdreg s10  }
0x16d: {  	s14 =	rddreg [dreg:$0x2];
	s11 =	sand.u32 $0x7C000, s9;
	s13 =	sand.u32 $0x70, s12;
	[tilespmem:s21+$0x30] =	vst v9  }
0x16e: {  	s0 =	sor.u32 s11, s10;
	[dreg:$0x12] =	wrdreg s13  }
0x16f: {  	s17 =	simm.s32 $0x9000;
	s16 =	simm.s32 $0x400;
	s0 =	sor.u32 s13, s0;
	[tilespmem:s21+$0xFFFFFFB0] =	vst v10  }
0x170: {  	s22 =	simm.s32 $0xB000;
	[dreg:$0x14] =	wrdreg s0;
	s0 =	sor.u32 $0x1000, s0  }
0x171: {  	s15 =	simm.s32 $0x80;
	s21 =	rddreg [dreg:$0x3];
	[tilespmem:s2+$0xB000] =	vst v11;
	s1 =	sadd.s32 s14, s0  }
0x172: {  	[hbm4b:s1+s15] =	stream.strided.scatter [tilespmem:s17], [sflag:$0x6], $0x1000, s16, s15, $0x38;
	[tilespmem:$0xC100] =	vst v63  }
0x173: {  	s23 =	simm.s32 $0x3;
	p0 =	seq.s32 s6, $0x3F;
	s0 =	sadd.s32 s21, s0  }
0x174: {  	[hbm4b:s0+s15] =	stream.strided.scatter [tilespmem:s22], [sflag:$0x8], $0x1000, s16, s15, $0x38;
	[tilespmem:$0xC100] =	vst v63  }
0x175: {  	s2 =	simm.s32 @!p0 $0x2000;
	s1 =	sshll.u32 @!p0 s6, $0xC;
	s0 =	rddreg [dreg:$0xb]  }
0x176: {  	[dreg:$0x15] =	wrdreg s1;
	s0 =	sadd.s32 @!p0 s1, s0;
	s1 =	simm.s32 @!p0 $0x0  }
0x177: {  	[tilespmem:s2], [sflag:$0x2] =	stream.linear.gather @!p0 [hbm4b:s0+s1], $0x2000, $0x38;
	[tilespmem:$0xC100] =	vst v63  }
0x178: {  	_ =	swait.ge [sflag:s23], $0x2000  }
0x179: {  	[sflag:s23] =	ssyncset.done $0x0  }
0x17a: {  	s24 =	simm.s32 $0x5;
	[sflag:s23] =	ssyncadd.s32 $0xFFFFE000  }
0x17b: {  	s0 =	simm.s32 $0x180;
	_ =	swait.ge [sflag:s24], $0x1000  }
0x17c: {  	v8 =	vadd.s32 s0, v0;
	[sflag:s24] =	ssyncset.done $0x0  }
0x17d: {  	s28 =	simm.s32 $0x100;
	s25 =	simm.s32 $0x7;
	[sflag:s24] =	ssyncadd.s32 $0xFFFFF000  }
0x17e: {  	v9 =	vadd.s32 s28, v0;
	s15 =	simm.s32 $0x0;
	_ =	swait.ge [sflag:s25], $0x1000  }
0x17f: {  	v10 =	vadd.s32 s15, v0;
	[sflag:s25] =	ssyncset.done $0x0  }
0x180: {  	[sflag:s25] =	ssyncadd.s32 $0xFFFFF000  }
0x181: {  	v8 =	vld.idx.msk [tilespmem:v8+s19+$0x0], $0xffff  }
0x182: {  	s2 =	simm.s32 $0x80;
	v11 =	vadd.s32 s0, v4  }
0x183: {  	v12 =	vadd.s32 s2, v0;
	v9 =	vld.idx.msk [tilespmem:v9+s19+$0x0], $0xffff  }
0x184: {  	v13 =	vadd.s32 s28, v4;
	v10 =	vld.idx.msk [tilespmem:v10+s19+$0x0], $0xffff  }
0x185: {  	s9 =	simm.s32 $0x8080;
	v14 =	vadd.s32 s15, v4  }
0x186: {  	[tilespmem:s9+$0x40] =	vst v8  }
0x187: {  	v8 =	vld.idx.msk [tilespmem:v11+s19+$0x0], $0xffff  }
0x188: {  	[tilespmem:s9+$0x0] =	vst v9;
	v11 =	vld.idx.msk [tilespmem:v12+s19+$0x0], $0xffff;
	v12 =	vadd.s32 s0, v1  }
0x189: {  	v15 =	vadd.s32 s2, v4;
	[tilespmem:s9+$0xFFFFFF80] =	vst v10;
	v9 =	vld.idx.msk [tilespmem:v13+s19+$0x0], $0xffff  }
0x18a: {  	v10 =	vld.idx.msk [tilespmem:v14+s19+$0x0], $0xffff;
	v13 =	vadd.s32 s28, v1  }
0x18b: {  	s8 =	simm.s32 $0xA080;
	v14 =	vadd.s32 s15, v1  }
0x18c: {  	[tilespmem:s8+$0x40] =	vst v8  }
0x18d: {  	s11 =	simm.s32 $0x200;
	[tilespmem:s9+$0xFFFFFFC0] =	vst v11;
	v11 =	vld.idx.msk [tilespmem:v12+s19+$0x0], $0xffff  }
0x18e: {  	s12 =	simm.s32 $0x300;
	v8 =	vadd.s32 s11, v0;
	[tilespmem:s8+$0x0] =	vst v9;
	v12 =	vld.idx.msk [tilespmem:v15+s19+$0x0], $0xffff  }
0x18f: {  	s7 =	simm.s32 $0x280;
	[tilespmem:s8+$0xFFFFFF80] =	vst v10;
	v9 =	vadd.s32 s12, v0;
	v10 =	vld.idx.msk [tilespmem:v13+s19+$0x0], $0xffff  }
0x190: {  	v18 =	vadd.s32 s7, v0;
	v13 =	vld.idx.msk [tilespmem:v14+s19+$0x0], $0xffff  }
0x191: {  	s26 =	simm.s32 $0xC0;
	v15 =	vadd.s32 s0, v5  }
0x192: {  	s4 =	sor.u32 $0x50, s26;
	v16 =	vadd.s32 s2, v1  }
0x193: {  	v8 =	vld.idx.msk [tilespmem:v8+s19+$0x0], $0xffff;
	[tilespmem:s4+$0x8000] =	vst v11  }
0x194: {  	s13 =	simm.s32 $0x380;
	v14 =	vadd.s32 s28, v5;
	v9 =	vld.idx.msk [tilespmem:v9+s19+$0x0], $0xffff;
	[tilespmem:s8+$0xFFFFFFC0] =	vst v12  }
0x195: {  	v17 =	vadd.s32 s13, v0;
	[tilespmem:s9+$0xFFFFFF90] =	vst v13;
	v13 =	vld.idx.msk [tilespmem:v18+s19+$0x0], $0xffff  }
0x196: {  	[tilespmem:s9+$0x10] =	vst v10;
	v10 =	vadd.s32 s15, v5;
	v12 =	vld.idx.msk [tilespmem:v15+s19+$0x0], $0xffff  }
0x197: {  	v15 =	vld.idx.msk [tilespmem:v16+s19+$0x0], $0xffff;
	v16 =	vadd.s32 s0, v2  }
0x198: {  	s24 =	simm.s32 $0x8180;
	v11 =	vadd.s32 s11, v4  }
0x199: {  	v19 =	vadd.s32 s12, v4;
	v14 =	vld.idx.msk [tilespmem:v14+s19+$0x0], $0xffff;
	[tilespmem:s24+$0xFFFFFF80] =	vst v8  }
0x19a: {  	v20 =	vadd.s32 s7, v4;
	v8 =	vld.idx.msk [tilespmem:v17+s19+$0x0], $0xffff;
	[tilespmem:s24+$0x0] =	vst v9  }
0x19b: {  	s22 =	simm.s32 $0x40;
	v17 =	vadd.s32 s13, v4;
	v10 =	vld.idx.msk [tilespmem:v10+s19+$0x0], $0xffff;
	[tilespmem:s4+$0xA000] =	vst v12  }
0x19c: {  	s6 =	sor.u32 $0x50, s22;
	[tilespmem:s24+$0xFFFFFFC0] =	vst v13;
	v12 =	vld.idx.msk [tilespmem:v16+s19+$0x0], $0xffff;
	v16 =	vadd.s32 s2, v5  }
0x19d: {  	v11 =	vld.idx.msk [tilespmem:v11+s19+$0x0], $0xffff;
	v13 =	vadd.s32 s15, v2;
	[tilespmem:s6+$0x8000] =	vst v15  }
0x19e: {  	v18 =	vadd.s32 s0, v6;
	v9 =	vld.idx.msk [tilespmem:v19+s19+$0x0], $0xffff;
	[tilespmem:s8+$0x10] =	vst v14  }
0x19f: {  	v14 =	vld.idx.msk [tilespmem:v20+s19+$0x0], $0xffff;
	[tilespmem:s24+$0x40] =	vst v8;
	v8 =	vadd.s32 s28, v2  }
0x1a0: {  	s10 =	sor.u32 $0x60, s26;
	v15 =	vld.idx.msk [tilespmem:v17+s19+$0x0], $0xffff;
	v17 =	vadd.s32 s11, v1;
	[tilespmem:s8+$0xFFFFFF90] =	vst v10  }
0x1a1: {  	s30 =	simm.s32 $0x400;
	s25 =	simm.s32 $0xA180;
	[tilespmem:s10+$0x8000] =	vst v12;
	v12 =	vadd.s32 s13, v1;
	v16 =	vld.idx.msk [tilespmem:v16+s19+$0x0], $0xffff  }
0x1a2: {  	[tilespmem:s25+$0xFFFFFF80] =	vst v11;
	v11 =	vadd.s32 s30, v0;
	v13 =	vld.idx.msk [tilespmem:v13+s19+$0x0], $0xffff  }
0x1a3: {  	v19 =	vadd.s32 s2, v2;
	v18 =	vld.idx.msk [tilespmem:v18+s19+$0x0], $0xffff  }
0x1a4: {  	v10 =	vadd.s32 s12, v1;
	v8 =	vld.idx.msk [tilespmem:v8+s19+$0x0], $0xffff  }
0x1a5: {  	v17 =	vld.idx.msk [tilespmem:v17+s19+$0x0], $0xffff;
	[tilespmem:s25+$0x40] =	vst v15;
	v15 =	vadd.s32 s0, v3  }
0x1a6: {  	v12 =	vld.idx.msk [tilespmem:v12+s19+$0x0], $0xffff;
	[tilespmem:s6+$0xA000] =	vst v16;
	v16 =	vadd.s32 s28, v6  }
0x1a7: {  	v20 =	vadd.s32 s7, v1;
	[tilespmem:s25+$0x0] =	vst v9;
	v11 =	vld.idx.msk [tilespmem:v11+s19+$0x0], $0xffff  }
0x1a8: {  	v9 =	vadd.s32 s15, v6;
	[tilespmem:s25+$0xFFFFFFC0] =	vst v14;
	v19 =	vld.idx.msk [tilespmem:v19+s19+$0x0], $0xffff  }
0x1a9: {  	s3 =	simm.s32 $0x1C0;
	v14 =	vadd.s32 s2, v6;
	v10 =	vld.idx.msk [tilespmem:v10+s19+$0x0], $0xffff;
	[tilespmem:s10+$0xA000] =	vst v18  }
0x1aa: {  	s31 =	simm.s32 $0x500;
	s14 =	sor.u32 $0x50, s3;
	[tilespmem:s9+$0x20] =	vst v8;
	v8 =	vadd.s32 s13, v5;
	v15 =	vld.idx.msk [tilespmem:v15+s19+$0x0], $0xffff  }
0x1ab: {  	v18 =	vadd.s32 s31, v0;
	[tilespmem:s14+$0x8000] =	vst v12;
	v12 =	vld.idx.msk [tilespmem:v16+s19+$0x0], $0xffff  }
0x1ac: {  	s21 =	simm.s32 $0x580;
	s16 =	sor.u32 $0x60, s22;
	[tilespmem:s9+$0xFFFFFFA0] =	vst v13;
	v16 =	vld.idx.msk [tilespmem:v20+s19+$0x0], $0xffff;
	v20 =	vadd.s32 s12, v5  }
0x1ad: {  	s4 =	simm.s32 $0x8280;
	v13 =	vadd.s32 s21, v0;
	v9 =	vld.idx.msk [tilespmem:v9+s19+$0x0], $0xffff;
	[tilespmem:s16+$0x8000] =	vst v19  }
0x1ae: {  	[tilespmem:s4+$0xFFFFFF80] =	vst v11;
	v19 =	vadd.s32 s30, v4;
	v11 =	vld.idx.msk [tilespmem:v14+s19+$0x0], $0xffff  }
0x1af: {  	s23 =	sor.u32 $0x70, s26;
	[tilespmem:s24+$0x10] =	vst v10;
	v10 =	vadd.s32 s28, v3;
	v8 =	vld.idx.msk [tilespmem:v8+s19+$0x0], $0xffff  }
0x1b0: {  	v14 =	vadd.s32 s15, v3;
	[tilespmem:s23+$0x8000] =	vst v15;
	v15 =	vld.idx.msk [tilespmem:v18+s19+$0x0], $0xffff  }
0x1b1: {  	[tilespmem:s24+$0xFFFFFF90] =	vst v17;
	v18 =	vadd.s32 s11, v5;
	v20 =	vld.idx.msk [tilespmem:v20+s19+$0x0], $0xffff  }
0x1b2: {  	s17 =	simm.s32 $0x140;
	[tilespmem:s8+$0x20] =	vst v12;
	v12 =	vld.idx.msk [tilespmem:v13+s19+$0x0], $0xffff;
	v13 =	vadd.s32 s13, v2  }
0x1b3: {  	s29 =	sor.u32 $0x50, s17;
	[tilespmem:s8+$0xFFFFFFA0] =	vst v9;
	v9 =	vld.idx.msk [tilespmem:v19+s19+$0x0], $0xffff;
	v19 =	vadd.s32 s2, v3  }
0x1b4: {  	v17 =	vadd.s32 s0, v7;
	[tilespmem:s29+$0x8000] =	vst v16;
	v10 =	vld.idx.msk [tilespmem:v10+s19+$0x0], $0xffff  }
0x1b5: {  	v23 =	vadd.s32 s7, v5;
	s26 =	simm.s32 $0x480;
	[tilespmem:s16+$0xA000] =	vst v11;
	v14 =	vld.idx.msk [tilespmem:v14+s19+$0x0], $0xffff  }
0x1b6: {  	v11 =	vadd.s32 s26, v0;
	[tilespmem:s14+$0xA000] =	vst v8;
	v16 =	vld.idx.msk [tilespmem:v18+s19+$0x0], $0xffff  }
0x1b7: {  	[tilespmem:s4+$0x0] =	vst v15;
	v18 =	vadd.s32 s15, v7;
	v15 =	vld.idx.msk [tilespmem:v13+s19+$0x0], $0xffff  }
0x1b8: {  	v13 =	vadd.s32 s28, v7;
	[tilespmem:s25+$0x10] =	vst v20;
	v19 =	vld.idx.msk [tilespmem:v19+s19+$0x0], $0xffff  }
0x1b9: {  	v21 =	vadd.s32 s2, v7;
	v24 =	vld.idx.msk [tilespmem:v17+s19+$0x0], $0xffff;
	[tilespmem:s4+$0x40] =	vst v12  }
0x1ba: {  	v17 =	vld.idx.msk [tilespmem:v23+s19+$0x0], $0xffff;
	v20 =	vadd.s32 s21, v4;
	[tilespmem:s9+$0x30] =	vst v10  }
0x1bb: {  	v8 =	vadd.s32 s31, v4;
	v22 =	vld.idx.msk [tilespmem:v11+s19+$0x0], $0xffff;
	[tilespmem:s9+$0xFFFFFFB0] =	vst v14  }
0x1bc: {  	v25 =	vadd.s32 s13, v6;
	s1 =	sor.u32 $0x70, s22;
	[tilespmem:s25+$0xFFFFFF90] =	vst v16;
	v14 =	vld.idx.msk [tilespmem:v18+s19+$0x0], $0xffff  }
0x1bd: {  	s16 =	sor.u32 $0x60, s3;
	v10 =	vadd.s32 s26, v4;
	v16 =	vld.idx.msk [tilespmem:v13+s19+$0x0], $0xffff;
	[tilespmem:s1+$0x8000] =	vst v19  }
0x1be: {  	[tilespmem:s16+$0x8000] =	vst v15;
	v15 =	vld.idx.msk [tilespmem:v21+s19+$0x0], $0xffff;
	v21 =	vadd.s32 s12, v2  }
0x1bf: {  	s0 =	simm.s32 $0xA280;
	[tilespmem:s23+$0xA000] =	vst v24;
	v12 =	vadd.s32 s30, v1;
	v13 =	vld.idx.msk [tilespmem:v20+s19+$0x0], $0xffff  }
0x1c0: {  	s2 =	simm.s32 $0x8280;
	[tilespmem:s0+$0xFFFFFF80] =	vst v9;
	v9 =	vadd.s32 s7, v2;
	v11 =	vld.idx.msk [tilespmem:v8+s19+$0x0], $0xffff;
	v19 =	vadd.s32 s21, v1  }
0x1c1: {  	s15 =	simm.s32 $0x2C0;
	s28 =	simm.s32 $0x8;
	v8 =	vadd.s32 s26, v2;
	s9 =	simm.s32 $0x600;
	v20 =	vadd.s32 s11, v2;
	v18 =	vld.idx.msk [tilespmem:v25+s19+$0x0], $0xffff;
	[tilespmem:s4+$0xFFFFFFC0] =	vst v22  }
.LBB2_11:
0x1c2: {  	v22 =	vadd.s32 s9, v0;
	s22 =	sadd.s32 $0x80, s9;
	s28 =	sadd.s32 $0x4, s28;
	v10 =	vld.idx.msk [tilespmem:v10+s19+$0x0], $0xffff;
	[tilespmem:s8+$0x30] =	vst v16  }
0x1c3: {  	s23 =	sadd.s32 $0x100, s9;
	v16 =	vadd.s32 s22, v0;
	v23 =	vadd.s32 s22, v2;
	p1 =	slt.u32 s28, $0x3C;
	v21 =	vld.idx.msk [tilespmem:v21+s19+$0x0], $0xffff;
	[tilespmem:s8+$0xFFFFFFB0] =	vst v14;
	s8 =	smov.u32 s25  }
0x1c4: {  	s14 =	sadd.s32 $0x180, s9;
	v14 =	vadd.s32 s23, v0;
	s25 =	smov.u32 s0;
	v12 =	vld.idx.msk [tilespmem:v12+s19+$0x0], $0xffff;
	[tilespmem:s0+$0x40] =	vst v13;
	v13 =	vadd.s32 s13, v3  }
0x1c5: {  	v25 =	vadd.s32 s31, v1;
	v24 =	vadd.s32 s14, v0;
	v19 =	vld.idx.msk [tilespmem:v19+s19+$0x0], $0xffff;
	[tilespmem:s1+$0xA000] =	vst v15  }
0x1c6: {  	v15 =	vld.idx.msk [tilespmem:v20+s19+$0x0], $0xffff;
	[tilespmem:s29+$0xA000] =	vst v17;
	v17 =	vadd.s32 s12, v6  }
0x1c7: {  	v20 =	vadd.s32 s26, v1;
	v26 =	vld.idx.msk [tilespmem:v9+s19+$0x0], $0xffff;
	[tilespmem:s16+$0xA000] =	vst v18;
	v9 =	vmov v8;
	v8 =	vmov v23  }
0x1c8: {  	v18 =	vld.idx.msk [tilespmem:v22+s19+$0x0], $0xffff;
	[tilespmem:s0+$0x0] =	vst v11;
	v11 =	vadd.s32 s11, v6  }
0x1c9: {  	v23 =	vadd.s32 s7, v6;
	v22 =	vadd.s32 s9, v4;
	[tilespmem:s0+$0xFFFFFFC0] =	vst v10;
	v13 =	vld.idx.msk [tilespmem:v13+s19+$0x0], $0xffff  }
0x1ca: {  	s1 =	sor.u32 $0x50, s15;
	v10 =	vadd.s32 s22, v4;
	v25 =	vld.idx.msk [tilespmem:v25+s19+$0x0], $0xffff;
	[tilespmem:s24+$0x20] =	vst v21  }
0x1cb: {  	v21 =	vadd.s32 s23, v4;
	[tilespmem:s1+$0x8000] =	vst v19;
	v19 =	vadd.s32 s21, v5;
	v17 =	vld.idx.msk [tilespmem:v17+s19+$0x0], $0xffff  }
0x1cc: {  	v28 =	vadd.s32 s31, v5;
	s4 =	sadd.s32 $0x100, s4;
	s6 =	sor.u32 $0x60, s17;
	v27 =	vadd.s32 s14, v4;
	v20 =	vld.idx.msk [tilespmem:v20+s19+$0x0], $0xffff;
	[tilespmem:s24+$0xFFFFFFA0] =	vst v15  }
0x1cd: {  	v11 =	vld.idx.msk [tilespmem:v11+s19+$0x0], $0xffff;
	[tilespmem:s6+$0x8000] =	vst v26  }
0x1ce: {  	s10 =	sor.u32 $0x70, s3;
	s3 =	smov.u32 s15;
	[tilespmem:s4+$0xFFFFFF80] =	vst v18;
	v15 =	vld.idx.msk [tilespmem:v23+s19+$0x0], $0xffff  }
0x1cf: {  	v18 =	vadd.s32 s11, v3;
	v14 =	vld.idx.msk [tilespmem:v14+s19+$0x0], $0xffff;
	[tilespmem:s10+$0x8000] =	vst v13  }
0x1d0: {  	s16 =	sadd.s32 $0xFFFFFF80, s15;
	[tilespmem:s2+$0x10] =	vst v25;
	v13 =	vld.idx.msk [tilespmem:v19+s19+$0x0], $0xffff;
	v19 =	vadd.s32 s12, v3  }
0x1d1: {  	s29 =	sor.u32 $0x50, s16;
	v23 =	vadd.s32 s30, v5;
	v25 =	vld.idx.msk [tilespmem:v28+s19+$0x0], $0xffff;
	[tilespmem:s8+$0x20] =	vst v17  }
0x1d2: {  	v17 =	vld.idx.msk [tilespmem:v24+s19+$0x0], $0xffff;
	[tilespmem:s29+$0x8000] =	vst v20;
	v20 =	vadd.s32 s21, v2  }
0x1d3: {  	s0 =	sadd.s32 $0x100, s0;
	v22 =	vld.idx.msk [tilespmem:v22+s19+$0x0], $0xffff;
	[tilespmem:s8+$0xFFFFFFA0] =	vst v11;
	v11 =	vadd.s32 s7, v3  }
0x1d4: {  	v18 =	vld.idx.msk [tilespmem:v18+s19+$0x0], $0xffff;
	[tilespmem:s6+$0xA000] =	vst v15  }
0x1d5: {  	[tilespmem:s2+$0xFFFFFF90] =	vst v12;
	v12 =	vld.idx.msk [tilespmem:v19+s19+$0x0], $0xffff  }
0x1d6: {  	v15 =	vld.idx.msk [tilespmem:v23+s19+$0x0], $0xffff;
	[tilespmem:s1+$0xA000] =	vst v13;
	v13 =	vadd.s32 s13, v7;
	s13 =	smov.u32 s21;
	s21 =	smov.u32 s14  }
0x1d7: {  	[tilespmem:s4+$0x0] =	vst v14;
	v19 =	vld.idx.msk [tilespmem:v20+s19+$0x0], $0xffff;
	v14 =	vadd.s32 s12, v7;
	s12 =	smov.u32 s31;
	s31 =	smov.u32 s23  }
0x1d8: {  	v20 =	vadd.s32 s11, v7;
	s11 =	smov.u32 s30;
	s30 =	smov.u32 s9;
	[tilespmem:s25+$0x10] =	vst v25;
	v23 =	vld.idx.msk [tilespmem:v11+s19+$0x0], $0xffff  }
0x1d9: {  	s15 =	sadd.s32 $0x100, s15;
	[tilespmem:s0+$0xFFFFFF80] =	vst v22;
	v22 =	vld.idx.msk [tilespmem:v16+s19+$0x0], $0xffff  }
0x1da: {  	v11 =	vld.idx.msk [tilespmem:v21+s19+$0x0], $0xffff;
	[tilespmem:s24+$0xFFFFFFB0] =	vst v18;
	v18 =	vadd.s32 s7, v7;
	s7 =	smov.u32 s26;
	s26 =	smov.u32 s22  }
0x1db: {  	v24 =	vadd.s32 s7, v5;
	[tilespmem:s24+$0x30] =	vst v12;
	v25 =	vld.idx.msk [tilespmem:v13+s19+$0x0], $0xffff;
	s24 =	smov.u32 s2;
	s2 =	smov.u32 s4  }
0x1dc: {  	v26 =	vadd.s32 s13, v6;
	[tilespmem:s25+$0xFFFFFF90] =	vst v15;
	v16 =	vld.idx.msk [tilespmem:v14+s19+$0x0], $0xffff  }
.Ltmp5:
0x1dd: {  	s1 =	sor.u32 $0x70, s17;
	s17 =	smov.u32 s16;
	[tilespmem:s4+$0x40] =	vst v17;
	v14 =	vld.idx.msk [tilespmem:v20+s19+$0x0], $0xffff;
	(pc) =	sbr.rel @p1 .LBB2_11-.Ltmp5, $4  }
0x1de: {  	s16 =	sor.u32 $0x60, s3;
	v21 =	vadd.s32 s12, v2;
	v13 =	vld.idx.msk [tilespmem:v27+s19+$0x0], $0xffff;
	[tilespmem:s1+$0x8000] =	vst v23  }
0x1df: {  	v12 =	vadd.s32 s9, v1;
	[tilespmem:s16+$0x8000] =	vst v19;
	v15 =	vld.idx.msk [tilespmem:v18+s19+$0x0], $0xffff  }
0x1e0: {  	v19 =	vadd.s32 s21, v1;
	[tilespmem:s4+$0xFFFFFFC0] =	vst v22;
	v17 =	vld.idx.msk [tilespmem:v24+s19+$0x0], $0xffff  }
0x1e1: {  	s9 =	sadd.s32 $0x200, s9;
	v20 =	vadd.s32 s11, v2;
	v18 =	vld.idx.msk [tilespmem:v26+s19+$0x0], $0xffff;
	[tilespmem:s10+$0xA000] =	vst v25  }
0x1e2: {  	_ =	sdelay $0x1  }
0x1e3: {  	[tilespmem:s8+$0x30] =	vst v16  }
0x1e4: {  	[tilespmem:s8+$0xFFFFFFB0] =	vst v14  }
0x1e5: {  	v10 =	vld.idx.msk [tilespmem:v10+s19+$0x0], $0xffff;
	[tilespmem:s0+$0x40] =	vst v13;
	v13 =	vadd.s32 s13, v3  }
0x1e6: {  	v14 =	vld.idx.msk [tilespmem:v21+s19+$0x0], $0xffff;
	v16 =	vadd.s32 s31, v1;
	[tilespmem:s0+$0x0] =	vst v11  }
0x1e7: {  	[tilespmem:s1+$0xA000] =	vst v15;
	v15 =	vld.idx.msk [tilespmem:v19+s19+$0x0], $0xffff  }
0x1e8: {  	v19 =	vadd.s32 s26, v1;
	[tilespmem:s29+$0xA000] =	vst v17;
	v17 =	vld.idx.msk [tilespmem:v20+s19+$0x0], $0xffff  }
0x1e9: {  	[tilespmem:s16+$0xA000] =	vst v18;
	v18 =	vadd.s32 s12, v6;
	v9 =	vld.idx.msk [tilespmem:v9+s19+$0x0], $0xffff  }
0x1ea: {  	v11 =	vadd.s32 s11, v6;
	[tilespmem:s0+$0xFFFFFFC0] =	vst v10;
	v10 =	vld.idx.msk [tilespmem:v13+s19+$0x0], $0xffff  }
0x1eb: {  	s4 =	sor.u32 $0x50, s15;
	[tilespmem:s24+$0x20] =	vst v14;
	v14 =	vadd.s32 s21, v5;
	v13 =	vld.idx.msk [tilespmem:v16+s19+$0x0], $0xffff  }
0x1ec: {  	v12 =	vld.idx.msk [tilespmem:v12+s19+$0x0], $0xffff;
	[tilespmem:s4+$0x8000] =	vst v15;
	v15 =	vadd.s32 s31, v5  }
0x1ed: {  	s6 =	sor.u32 $0x60, s17;
	v16 =	vld.idx.msk [tilespmem:v19+s19+$0x0], $0xffff;
	[tilespmem:s24+$0xFFFFFFA0] =	vst v17;
	v17 =	vadd.s32 s30, v5  }
0x1ee: {  	s16 =	sor.u32 $0x70, s3;
	v18 =	vld.idx.msk [tilespmem:v18+s19+$0x0], $0xffff;
	[tilespmem:s6+$0x8000] =	vst v9;
	v9 =	vadd.s32 s26, v5  }
0x1ef: {  	v19 =	vadd.s32 s7, v6;
	v11 =	vld.idx.msk [tilespmem:v11+s19+$0x0], $0xffff;
	[tilespmem:s16+$0x8000] =	vst v10  }
0x1f0: {  	s22 =	sadd.s32 $0xFFFFFF80, s15;
	v10 =	vadd.s32 s11, v3;
	[tilespmem:s2+$0x10] =	vst v13;
	v13 =	vld.idx.msk [tilespmem:v14+s19+$0x0], $0xffff  }
0x1f1: {  	s23 =	sor.u32 $0x50, s22;
	[tilespmem:s2+$0xFFFFFF90] =	vst v12;
	v14 =	vld.idx.msk [tilespmem:v15+s19+$0x0], $0xffff;
	v15 =	vadd.s32 s21, v2  }
0x1f2: {  	[tilespmem:s23+$0x8000] =	vst v16;
	v16 =	vadd.s32 s31, v2;
	v12 =	vld.idx.msk [tilespmem:v17+s19+$0x0], $0xffff  }
0x1f3: {  	v17 =	vadd.s32 s30, v2;
	[tilespmem:s25+$0x20] =	vst v18;
	v9 =	vld.idx.msk [tilespmem:v9+s19+$0x0], $0xffff  }
0x1f4: {  	v18 =	vld.idx.msk [tilespmem:v19+s19+$0x0], $0xffff;
	[tilespmem:s25+$0xFFFFFFA0] =	vst v11  }
0x1f5: {  	v11 =	vadd.s32 s12, v3;
	v10 =	vld.idx.msk [tilespmem:v10+s19+$0x0], $0xffff;
	[tilespmem:s4+$0xA000] =	vst v13  }
0x1f6: {  	v13 =	vadd.s32 s7, v3;
	v15 =	vld.idx.msk [tilespmem:v15+s19+$0x0], $0xffff;
	[tilespmem:s0+$0x10] =	vst v14  }
0x1f7: {  	[tilespmem:s0+$0xFFFFFF90] =	vst v12;
	v12 =	vadd.s32 s21, v6;
	v14 =	vld.idx.msk [tilespmem:v16+s19+$0x0], $0xffff  }
0x1f8: {  	v16 =	vld.idx.msk [tilespmem:v17+s19+$0x0], $0xffff;
	[tilespmem:s23+$0xA000] =	vst v9;
	v9 =	vadd.s32 s31, v6  }
0x1f9: {  	[tilespmem:s6+$0xA000] =	vst v18;
	v17 =	vadd.s32 s30, v6;
	v8 =	vld.idx.msk [tilespmem:v8+s19+$0x0], $0xffff  }
0x1fa: {  	s8 =	sor.u32 $0x60, s15;
	v11 =	vld.idx.msk [tilespmem:v11+s19+$0x0], $0xffff;
	[tilespmem:s24+$0xFFFFFFB0] =	vst v10;
	v10 =	vadd.s32 s26, v6  }
0x1fb: {  	v18 =	vadd.s32 s13, v7;
	v13 =	vld.idx.msk [tilespmem:v13+s19+$0x0], $0xffff;
	[tilespmem:s8+$0x8000] =	vst v15  }
0x1fc: {  	v15 =	vadd.s32 s12, v7;
	v12 =	vld.idx.msk [tilespmem:v12+s19+$0x0], $0xffff;
	[tilespmem:s2+$0x20] =	vst v14  }
0x1fd: {  	s9 =	sor.u32 $0x60, s22;
	v14 =	vadd.s32 s21, v3;
	v9 =	vld.idx.msk [tilespmem:v9+s19+$0x0], $0xffff;
	[tilespmem:s2+$0xFFFFFFA0] =	vst v16  }
0x1fe: {  	v16 =	vld.idx.msk [tilespmem:v17+s19+$0x0], $0xffff;
	[tilespmem:s9+$0x8000] =	vst v8;
	v8 =	vadd.s32 s31, v3  }
0x1ff: {  	s10 =	sor.u32 $0x70, s17;
	[tilespmem:s24+$0x30] =	vst v11;
	v11 =	vadd.s32 s30, v3;
	v10 =	vld.idx.msk [tilespmem:v10+s19+$0x0], $0xffff  }
0x200: {  	v17 =	vld.idx.msk [tilespmem:v18+s19+$0x0], $0xffff;
	v18 =	vadd.s32 s11, v7;
	[tilespmem:s10+$0x8000] =	vst v13  }
0x201: {  	v13 =	vadd.s32 s26, v3;
	v15 =	vld.idx.msk [tilespmem:v15+s19+$0x0], $0xffff;
	[tilespmem:s8+$0xA000] =	vst v12  }
0x202: {  	v12 =	vadd.s32 s7, v7;
	v14 =	vld.idx.msk [tilespmem:v14+s19+$0x0], $0xffff;
	[tilespmem:s0+$0x20] =	vst v9  }
0x203: {  	v9 =	vadd.s32 s21, v7;
	[tilespmem:s0+$0xFFFFFFA0] =	vst v16;
	v8 =	vld.idx.msk [tilespmem:v8+s19+$0x0], $0xffff  }
0x204: {  	v11 =	vld.idx.msk [tilespmem:v11+s19+$0x0], $0xffff;
	[tilespmem:s9+$0xA000] =	vst v10;
	v10 =	vadd.s32 s31, v7  }
0x205: {  	[tilespmem:s16+$0xA000] =	vst v17;
	v16 =	vadd.s32 s30, v7;
	v17 =	vld.idx.msk [tilespmem:v18+s19+$0x0], $0xffff  }
0x206: {  	s12 =	sor.u32 $0x70, s15;
	v13 =	vld.idx.msk [tilespmem:v13+s19+$0x0], $0xffff;
	[tilespmem:s25+$0x30] =	vst v15  }
0x207: {  	v12 =	vld.idx.msk [tilespmem:v12+s19+$0x0], $0xffff;
	[tilespmem:s12+$0x8000] =	vst v14  }
0x208: {  	v15 =	vadd.s32 s26, v7;
	[tilespmem:s2+$0x30] =	vst v8;
	v8 =	vld.idx.msk [tilespmem:v9+s19+$0x0], $0xffff  }
0x209: {  	[tilespmem:s2+$0xFFFFFFB0] =	vst v11;
	v9 =	vld.idx.msk [tilespmem:v10+s19+$0x0], $0xffff  }
0x20a: {  	s13 =	sor.u32 $0x70, s22;
	[tilespmem:s25+$0xFFFFFFB0] =	vst v17;
	v10 =	vld.idx.msk [tilespmem:v16+s19+$0x0], $0xffff  }
0x20b: {  	[tilespmem:s13+$0x8000] =	vst v13  }
0x20c: {  	[tilespmem:s10+$0xA000] =	vst v12  }
0x20d: {  	v11 =	vld.idx.msk [tilespmem:v15+s19+$0x0], $0xffff;
	[tilespmem:s12+$0xA000] =	vst v8  }
0x20e: {  	[tilespmem:s0+$0x30] =	vst v9  }
0x20f: {  	s14 =	rddreg [dreg:$0x2];
	[tilespmem:s0+$0xFFFFFFB0] =	vst v10  }
0x210: {  	s0 =	rddreg [dreg:$0x14]  }
0x211: {  	s17 =	simm.s32 $0x8000;
	s15 =	simm.s32 $0x80;
	s0 =	sor.u32 $0x2000, s0  }
0x212: {  	s21 =	rddreg [dreg:$0x3];
	s16 =	simm.s32 $0x400;
	[tilespmem:s13+$0xA000] =	vst v11;
	s1 =	sadd.s32 s14, s0  }
0x213: {  	[hbm4b:s1+s15] =	stream.strided.scatter [tilespmem:s17], [sflag:$0x5], $0x1000, s16, s15, $0x38;
	[tilespmem:$0xC100] =	vst v63  }
0x214: {  	s22 =	simm.s32 $0xA000;
	s0 =	sadd.s32 s21, s0;
	s1 =	rddreg [dreg:$0x15]  }
0x215: {  	[hbm4b:s0+s15] =	stream.strided.scatter [tilespmem:s22], [sflag:$0x7], $0x1000, s16, s15, $0x38;
	[tilespmem:$0xC100] =	vst v63  }
0x216: {  	s23 =	simm.s32 $0x4;
	s0 =	rddreg [dreg:$0xc]  }
0x217: {  	s2 =	simm.s32 @!p0 $0x4000;
	s0 =	sadd.s32 @!p0 s1, s0;
	s1 =	simm.s32 @!p0 $0x0  }
0x218: {  	[tilespmem:s2], [sflag:$0x3] =	stream.linear.gather @!p0 [hbm4b:s0+s1], $0x2000, $0x38;
	[tilespmem:$0xC100] =	vst v63  }
0x219: {  	_ =	swait.ge [sflag:s23], $0x2000  }
0x21a: {  	[sflag:s23] =	ssyncset.done $0x0  }
0x21b: {  	s24 =	simm.s32 $0x6;
	[sflag:s23] =	ssyncadd.s32 $0xFFFFE000  }
0x21c: {  	s3 =	simm.s32 $0x180;
	_ =	swait.ge [sflag:s24], $0x1000  }
0x21d: {  	v8 =	vadd.s32 s3, v0;
	[sflag:s24] =	ssyncset.done $0x0  }
0x21e: {  	s25 =	simm.s32 $0x8;
	s21 =	simm.s32 $0x100;
	[sflag:s24] =	ssyncadd.s32 $0xFFFFF000  }
0x21f: {  	s17 =	simm.s32 $0x0;
	v9 =	vadd.s32 s21, v0;
	_ =	swait.ge [sflag:s25], $0x1000  }
0x220: {  	v10 =	vadd.s32 s17, v0;
	[sflag:s25] =	ssyncset.done $0x0  }
0x221: {  	[sflag:s25] =	ssyncadd.s32 $0xFFFFF000  }
0x222: {  	v8 =	vld.idx.msk [tilespmem:v8+s20+$0x0], $0xffff  }
0x223: {  	v11 =	vadd.s32 s3, v4;
	s2 =	simm.s32 $0x80  }
0x224: {  	v12 =	vadd.s32 s2, v0;
	v9 =	vld.idx.msk [tilespmem:v9+s20+$0x0], $0xffff  }
0x225: {  	v13 =	vadd.s32 s21, v4;
	v10 =	vld.idx.msk [tilespmem:v10+s20+$0x0], $0xffff  }
0x226: {  	s9 =	simm.s32 $0x9080;
	v14 =	vadd.s32 s17, v4  }
0x227: {  	[tilespmem:s9+$0x40] =	vst v8  }
0x228: {  	v8 =	vld.idx.msk [tilespmem:v11+s20+$0x0], $0xffff  }
0x229: {  	[tilespmem:s9+$0x0] =	vst v9;
	v11 =	vld.idx.msk [tilespmem:v12+s20+$0x0], $0xffff  }
0x22a: {  	[tilespmem:s9+$0xFFFFFF80] =	vst v10;
	v12 =	vadd.s32 s3, v1;
	v9 =	vld.idx.msk [tilespmem:v13+s20+$0x0], $0xffff  }
0x22b: {  	v10 =	vld.idx.msk [tilespmem:v14+s20+$0x0], $0xffff;
	v13 =	vadd.s32 s21, v1  }
0x22c: {  	s30 =	simm.s32 $0xB080;
	v14 =	vadd.s32 s17, v1  }
0x22d: {  	v15 =	vadd.s32 s2, v4;
	[tilespmem:s30+$0x40] =	vst v8  }
0x22e: {  	s1 =	simm.s32 $0x200;
	[tilespmem:s9+$0xFFFFFFC0] =	vst v11  }
0x22f: {  	s11 =	simm.s32 $0x300;
	v8 =	vadd.s32 s1, v0;
	[tilespmem:s30+$0x0] =	vst v9;
	v11 =	vld.idx.msk [tilespmem:v12+s20+$0x0], $0xffff  }
0x230: {  	s7 =	simm.s32 $0x280;
	[tilespmem:s30+$0xFFFFFF80] =	vst v10;
	v9 =	vadd.s32 s11, v0;
	v10 =	vld.idx.msk [tilespmem:v13+s20+$0x0], $0xffff  }
0x231: {  	v18 =	vadd.s32 s7, v0;
	v13 =	vld.idx.msk [tilespmem:v14+s20+$0x0], $0xffff  }
0x232: {  	s26 =	simm.s32 $0xC0;
	v12 =	vld.idx.msk [tilespmem:v15+s20+$0x0], $0xffff;
	v15 =	vadd.s32 s3, v5  }
0x233: {  	s10 =	sor.u32 $0x50, s26;
	v16 =	vadd.s32 s2, v1  }
0x234: {  	s13 =	simm.s32 $0x380;
	v14 =	vadd.s32 s21, v5;
	v8 =	vld.idx.msk [tilespmem:v8+s20+$0x0], $0xffff;
	[tilespmem:s10+$0x9000] =	vst v11  }
0x235: {  	v17 =	vadd.s32 s13, v0;
	v9 =	vld.idx.msk [tilespmem:v9+s20+$0x0], $0xffff;
	[tilespmem:s9+$0x10] =	vst v10  }
0x236: {  	v10 =	vadd.s32 s17, v5;
	[tilespmem:s9+$0xFFFFFF90] =	vst v13;
	v13 =	vld.idx.msk [tilespmem:v18+s20+$0x0], $0xffff  }
0x237: {  	v11 =	vadd.s32 s1, v4;
	[tilespmem:s30+$0xFFFFFFC0] =	vst v12;
	v12 =	vld.idx.msk [tilespmem:v15+s20+$0x0], $0xffff  }
0x238: {  	s12 =	simm.s32 $0x9180;
	v15 =	vld.idx.msk [tilespmem:v16+s20+$0x0], $0xffff;
	v16 =	vadd.s32 s3, v2  }
0x239: {  	v19 =	vadd.s32 s11, v4;
	v14 =	vld.idx.msk [tilespmem:v14+s20+$0x0], $0xffff;
	[tilespmem:s12+$0xFFFFFF80] =	vst v8  }
0x23a: {  	v20 =	vadd.s32 s7, v4;
	v8 =	vld.idx.msk [tilespmem:v17+s20+$0x0], $0xffff;
	[tilespmem:s12+$0x0] =	vst v9  }
0x23b: {  	s22 =	simm.s32 $0x40;
	v17 =	vadd.s32 s13, v4;
	v10 =	vld.idx.msk [tilespmem:v10+s20+$0x0], $0xffff;
	[tilespmem:s12+$0xFFFFFFC0] =	vst v13  }
0x23c: {  	s14 =	sor.u32 $0x50, s22;
	v11 =	vld.idx.msk [tilespmem:v11+s20+$0x0], $0xffff;
	v13 =	vadd.s32 s17, v2;
	[tilespmem:s10+$0xB000] =	vst v12  }
0x23d: {  	[tilespmem:s14+$0x9000] =	vst v15;
	v12 =	vld.idx.msk [tilespmem:v16+s20+$0x0], $0xffff;
	v16 =	vadd.s32 s2, v5  }
0x23e: {  	v18 =	vadd.s32 s3, v6;
	v9 =	vld.idx.msk [tilespmem:v19+s20+$0x0], $0xffff;
	[tilespmem:s30+$0x10] =	vst v14  }
0x23f: {  	v14 =	vld.idx.msk [tilespmem:v20+s20+$0x0], $0xffff;
	[tilespmem:s12+$0x40] =	vst v8;
	v8 =	vadd.s32 s21, v2  }
0x240: {  	s16 =	simm.s32 $0xB180;
	s24 =	simm.s32 $0x400;
	v15 =	vld.idx.msk [tilespmem:v17+s20+$0x0], $0xffff;
	v17 =	vadd.s32 s1, v1;
	[tilespmem:s30+$0xFFFFFF90] =	vst v10  }
0x241: {  	s15 =	sor.u32 $0x60, s26;
	[tilespmem:s16+$0xFFFFFF80] =	vst v11;
	v11 =	vadd.s32 s24, v0;
	v13 =	vld.idx.msk [tilespmem:v13+s20+$0x0], $0xffff  }
0x242: {  	[tilespmem:s15+$0x9000] =	vst v12;
	v12 =	vadd.s32 s13, v1;
	v16 =	vld.idx.msk [tilespmem:v16+s20+$0x0], $0xffff  }
0x243: {  	v19 =	vadd.s32 s2, v2;
	v18 =	vld.idx.msk [tilespmem:v18+s20+$0x0], $0xffff  }
0x244: {  	v10 =	vadd.s32 s11, v1;
	[tilespmem:s16+$0x0] =	vst v9;
	v8 =	vld.idx.msk [tilespmem:v8+s20+$0x0], $0xffff  }
0x245: {  	v9 =	vadd.s32 s17, v6;
	[tilespmem:s16+$0xFFFFFFC0] =	vst v14;
	v17 =	vld.idx.msk [tilespmem:v17+s20+$0x0], $0xffff  }
0x246: {  	[tilespmem:s16+$0x40] =	vst v15;
	v15 =	vadd.s32 s3, v3;
	v11 =	vld.idx.msk [tilespmem:v11+s20+$0x0], $0xffff  }
0x247: {  	v12 =	vld.idx.msk [tilespmem:v12+s20+$0x0], $0xffff;
	[tilespmem:s14+$0xB000] =	vst v16;
	v16 =	vadd.s32 s21, v6  }
0x248: {  	v20 =	vadd.s32 s7, v1;
	[tilespmem:s9+$0xFFFFFFA0] =	vst v13;
	v19 =	vld.idx.msk [tilespmem:v19+s20+$0x0], $0xffff  }
0x249: {  	v14 =	vadd.s32 s2, v6;
	v10 =	vld.idx.msk [tilespmem:v10+s20+$0x0], $0xffff;
	[tilespmem:s15+$0xB000] =	vst v18  }
0x24a: {  	s31 =	simm.s32 $0x1C0;
	s25 =	simm.s32 $0x500;
	v9 =	vld.idx.msk [tilespmem:v9+s20+$0x0], $0xffff;
	[tilespmem:s9+$0x20] =	vst v8;
	v8 =	vadd.s32 s13, v5  }
0x24b: {  	s23 =	sor.u32 $0x50, s31;
	v18 =	vadd.s32 s25, v0;
	v15 =	vld.idx.msk [tilespmem:v15+s20+$0x0], $0xffff;
	[tilespmem:s12+$0xFFFFFF90] =	vst v17  }
0x24c: {  	s14 =	sor.u32 $0x60, s22;
	v17 =	vadd.s32 s3, v7;
	[tilespmem:s23+$0x9000] =	vst v12;
	v12 =	vld.idx.msk [tilespmem:v16+s20+$0x0], $0xffff  }
0x24d: {  	s4 =	simm.s32 $0x9280;
	s8 =	simm.s32 $0x580;
	v16 =	vld.idx.msk [tilespmem:v20+s20+$0x0], $0xffff;
	v20 =	vadd.s32 s11, v5;
	[tilespmem:s14+$0x9000] =	vst v19  }
0x24e: {  	v13 =	vadd.s32 s8, v0;
	[tilespmem:s4+$0xFFFFFF80] =	vst v11;
	v11 =	vld.idx.msk [tilespmem:v14+s20+$0x0], $0xffff  }
0x24f: {  	s10 =	sor.u32 $0x70, s26;
	[tilespmem:s12+$0x10] =	vst v10;
	v19 =	vadd.s32 s24, v4;
	v8 =	vld.idx.msk [tilespmem:v8+s20+$0x0], $0xffff  }
0x250: {  	v10 =	vadd.s32 s21, v3;
	[tilespmem:s10+$0x9000] =	vst v15;
	v15 =	vld.idx.msk [tilespmem:v18+s20+$0x0], $0xffff  }
0x251: {  	s0 =	simm.s32 $0x140;
	[tilespmem:s30+$0xFFFFFFA0] =	vst v9;
	v14 =	vadd.s32 s17, v3;
	v23 =	vld.idx.msk [tilespmem:v17+s20+$0x0], $0xffff  }
0x252: {  	v22 =	vadd.s32 s7, v5;
	s15 =	sor.u32 $0x50, s0;
	v20 =	vld.idx.msk [tilespmem:v20+s20+$0x0], $0xffff;
	[tilespmem:s30+$0x20] =	vst v12  }
0x253: {  	v18 =	vadd.s32 s1, v5;
	v12 =	vld.idx.msk [tilespmem:v13+s20+$0x0], $0xffff;
	[tilespmem:s15+$0x9000] =	vst v16  }
0x254: {  	v9 =	vld.idx.msk [tilespmem:v19+s20+$0x0], $0xffff;
	v19 =	vadd.s32 s2, v3;
	[tilespmem:s14+$0xB000] =	vst v11  }
0x255: {  	s26 =	simm.s32 $0x480;
	v13 =	vadd.s32 s13, v2;
	v10 =	vld.idx.msk [tilespmem:v10+s20+$0x0], $0xffff;
	[tilespmem:s23+$0xB000] =	vst v8  }
0x256: {  	v11 =	vadd.s32 s26, v0;
	v14 =	vld.idx.msk [tilespmem:v14+s20+$0x0], $0xffff;
	[tilespmem:s4+$0x0] =	vst v15  }
0x257: {  	v17 =	vld.idx.msk [tilespmem:v22+s20+$0x0], $0xffff;
	v8 =	vadd.s32 s25, v4;
	[tilespmem:s10+$0xB000] =	vst v23  }
0x258: {  	v16 =	vld.idx.msk [tilespmem:v18+s20+$0x0], $0xffff;
	v15 =	vadd.s32 s21, v7;
	[tilespmem:s16+$0x10] =	vst v20  }
0x259: {  	s21 =	simm.s32 $0xB280;
	v18 =	vadd.s32 s17, v7;
	[tilespmem:s4+$0x40] =	vst v12;
	v20 =	vld.idx.msk [tilespmem:v19+s20+$0x0], $0xffff  }
0x25a: {  	v13 =	vld.idx.msk [tilespmem:v13+s20+$0x0], $0xffff;
	v19 =	vadd.s32 s8, v4;
	[tilespmem:s21+$0xFFFFFF80] =	vst v9  }
0x25b: {  	v21 =	vld.idx.msk [tilespmem:v11+s20+$0x0], $0xffff;
	[tilespmem:s9+$0xFFFFFFB0] =	vst v14;
	v14 =	vadd.s32 s2, v7  }
0x25c: {  	v24 =	vadd.s32 s13, v6;
	[tilespmem:s9+$0x30] =	vst v10;
	v11 =	vld.idx.msk [tilespmem:v8+s20+$0x0], $0xffff  }
0x25d: {  	s29 =	sor.u32 $0x70, s22;
	v10 =	vadd.s32 s26, v4;
	[tilespmem:s16+$0xFFFFFF90] =	vst v16;
	v16 =	vld.idx.msk [tilespmem:v15+s20+$0x0], $0xffff  }
0x25e: {  	s28 =	sor.u32 $0x60, s31;
	v12 =	vld.idx.msk [tilespmem:v18+s20+$0x0], $0xffff;
	[tilespmem:s29+$0x9000] =	vst v20;
	v20 =	vadd.s32 s11, v2  }
0x25f: {  	v18 =	vadd.s32 s24, v1;
	[tilespmem:s28+$0x9000] =	vst v13;
	v19 =	vld.idx.msk [tilespmem:v19+s20+$0x0], $0xffff  }
0x260: {  	s3 =	simm.s32 $0x2C0;
	v13 =	vld.idx.msk [tilespmem:v14+s20+$0x0], $0xffff;
	[tilespmem:s4+$0xFFFFFFC0] =	vst v21;
	v21 =	vadd.s32 s8, v1  }
0x261: {  	s17 =	simm.s32 $0x8;
	v9 =	vadd.s32 s7, v2;
	v8 =	vadd.s32 s26, v2;
	s9 =	simm.s32 $0x600;
	s2 =	simm.s32 $0x9280;
	v15 =	vld.idx.msk [tilespmem:v24+s20+$0x0], $0xffff;
	v14 =	vadd.s32 s1, v2  }
.LBB2_13:
0x262: {  	v22 =	vadd.s32 s9, v0;
	s22 =	sadd.s32 $0x80, s9;
	s17 =	sadd.s32 $0x4, s17;
	v10 =	vld.idx.msk [tilespmem:v10+s20+$0x0], $0xffff;
	[tilespmem:s30+$0x30] =	vst v16  }
0x263: {  	s23 =	sadd.s32 $0x100, s9;
	v16 =	vadd.s32 s22, v0;
	v23 =	vadd.s32 s22, v2;
	p0 =	slt.u32 s17, $0x3C;
	v20 =	vld.idx.msk [tilespmem:v20+s20+$0x0], $0xffff;
	[tilespmem:s30+$0xFFFFFFB0] =	vst v12;
	s30 =	smov.u32 s16  }
0x264: {  	s14 =	sadd.s32 $0x180, s9;
	v12 =	vadd.s32 s23, v0;
	s16 =	smov.u32 s21;
	v18 =	vld.idx.msk [tilespmem:v18+s20+$0x0], $0xffff;
	[tilespmem:s21+$0x40] =	vst v19;
	v19 =	vadd.s32 s13, v3  }
0x265: {  	v25 =	vadd.s32 s25, v1;
	v24 =	vadd.s32 s14, v0;
	v21 =	vld.idx.msk [tilespmem:v21+s20+$0x0], $0xffff;
	[tilespmem:s29+$0xB000] =	vst v13  }
0x266: {  	v13 =	vld.idx.msk [tilespmem:v14+s20+$0x0], $0xffff;
	[tilespmem:s15+$0xB000] =	vst v17;
	v14 =	vadd.s32 s11, v6  }
0x267: {  	v17 =	vadd.s32 s26, v1;
	v26 =	vld.idx.msk [tilespmem:v9+s20+$0x0], $0xffff;
	[tilespmem:s28+$0xB000] =	vst v15;
	v9 =	vmov v8;
	v8 =	vmov v23  }
0x268: {  	v15 =	vld.idx.msk [tilespmem:v22+s20+$0x0], $0xffff;
	[tilespmem:s21+$0x0] =	vst v11;
	v11 =	vadd.s32 s1, v6  }
0x269: {  	v23 =	vadd.s32 s7, v6;
	v22 =	vadd.s32 s9, v4;
	[tilespmem:s21+$0xFFFFFFC0] =	vst v10;
	v19 =	vld.idx.msk [tilespmem:v19+s20+$0x0], $0xffff  }
0x26a: {  	s6 =	sor.u32 $0x50, s3;
	v10 =	vadd.s32 s22, v4;
	v25 =	vld.idx.msk [tilespmem:v25+s20+$0x0], $0xffff;
	[tilespmem:s12+$0x20] =	vst v20  }
0x26b: {  	v20 =	vadd.s32 s23, v4;
	[tilespmem:s6+$0x9000] =	vst v21;
	v21 =	vadd.s32 s8, v5;
	v14 =	vld.idx.msk [tilespmem:v14+s20+$0x0], $0xffff  }
0x26c: {  	v28 =	vadd.s32 s25, v5;
	s4 =	sadd.s32 $0x100, s4;
	v27 =	vadd.s32 s14, v4;
	s29 =	sor.u32 $0x60, s0;
	v17 =	vld.idx.msk [tilespmem:v17+s20+$0x0], $0xffff;
	[tilespmem:s12+$0xFFFFFFA0] =	vst v13  }
0x26d: {  	v11 =	vld.idx.msk [tilespmem:v11+s20+$0x0], $0xffff;
	[tilespmem:s29+$0x9000] =	vst v26  }
0x26e: {  	s10 =	sor.u32 $0x70, s31;
	s31 =	smov.u32 s3;
	[tilespmem:s4+$0xFFFFFF80] =	vst v15;
	v13 =	vld.idx.msk [tilespmem:v23+s20+$0x0], $0xffff  }
0x26f: {  	v15 =	vadd.s32 s1, v3;
	v12 =	vld.idx.msk [tilespmem:v12+s20+$0x0], $0xffff;
	[tilespmem:s10+$0x9000] =	vst v19  }
0x270: {  	s28 =	sadd.s32 $0xFFFFFF80, s3;
	[tilespmem:s2+$0x10] =	vst v25;
	v19 =	vld.idx.msk [tilespmem:v21+s20+$0x0], $0xffff;
	v21 =	vadd.s32 s11, v3  }
0x271: {  	s15 =	sor.u32 $0x50, s28;
	v23 =	vadd.s32 s24, v5;
	v25 =	vld.idx.msk [tilespmem:v28+s20+$0x0], $0xffff;
	[tilespmem:s30+$0x20] =	vst v14  }
0x272: {  	v14 =	vld.idx.msk [tilespmem:v24+s20+$0x0], $0xffff;
	[tilespmem:s15+$0x9000] =	vst v17;
	v17 =	vadd.s32 s8, v2  }
0x273: {  	s21 =	sadd.s32 $0x100, s21;
	v22 =	vld.idx.msk [tilespmem:v22+s20+$0x0], $0xffff;
	[tilespmem:s30+$0xFFFFFFA0] =	vst v11;
	v11 =	vadd.s32 s7, v3  }
0x274: {  	v15 =	vld.idx.msk [tilespmem:v15+s20+$0x0], $0xffff;
	[tilespmem:s29+$0xB000] =	vst v13  }
0x275: {  	[tilespmem:s2+$0xFFFFFF90] =	vst v18;
	v13 =	vld.idx.msk [tilespmem:v21+s20+$0x0], $0xffff  }
0x276: {  	v18 =	vld.idx.msk [tilespmem:v23+s20+$0x0], $0xffff;
	[tilespmem:s6+$0xB000] =	vst v19;
	v19 =	vadd.s32 s13, v7;
	s13 =	smov.u32 s8;
	s8 =	smov.u32 s14  }
0x277: {  	[tilespmem:s4+$0x0] =	vst v12;
	v17 =	vld.idx.msk [tilespmem:v17+s20+$0x0], $0xffff;
	v12 =	vadd.s32 s11, v7;
	s11 =	smov.u32 s25;
	s25 =	smov.u32 s23  }
0x278: {  	v21 =	vadd.s32 s1, v7;
	s1 =	smov.u32 s24;
	s24 =	smov.u32 s9;
	[tilespmem:s16+$0x10] =	vst v25;
	v23 =	vld.idx.msk [tilespmem:v11+s20+$0x0], $0xffff  }
0x279: {  	s3 =	sadd.s32 $0x100, s3;
	[tilespmem:s21+$0xFFFFFF80] =	vst v22;
	v22 =	vld.idx.msk [tilespmem:v16+s20+$0x0], $0xffff  }
0x27a: {  	v11 =	vld.idx.msk [tilespmem:v20+s20+$0x0], $0xffff;
	[tilespmem:s12+$0xFFFFFFB0] =	vst v15;
	v15 =	vadd.s32 s7, v7;
	s7 =	smov.u32 s26;
	s26 =	smov.u32 s22  }
0x27b: {  	v24 =	vadd.s32 s7, v5;
	[tilespmem:s12+$0x30] =	vst v13;
	v25 =	vld.idx.msk [tilespmem:v19+s20+$0x0], $0xffff;
	s12 =	smov.u32 s2;
	s2 =	smov.u32 s4  }
0x27c: {  	v26 =	vadd.s32 s13, v6;
	[tilespmem:s16+$0xFFFFFF90] =	vst v18;
	v16 =	vld.idx.msk [tilespmem:v12+s20+$0x0], $0xffff  }
.Ltmp6:
0x27d: {  	s29 =	sor.u32 $0x70, s0;
	s0 =	smov.u32 s28;
	[tilespmem:s4+$0x40] =	vst v14;
	v12 =	vld.idx.msk [tilespmem:v21+s20+$0x0], $0xffff;
	(pc) =	sbr.rel @p0 .LBB2_13-.Ltmp6, $4  }
0x27e: {  	s28 =	sor.u32 $0x60, s31;
	v20 =	vadd.s32 s11, v2;
	v19 =	vld.idx.msk [tilespmem:v27+s20+$0x0], $0xffff;
	[tilespmem:s29+$0x9000] =	vst v23  }
0x27f: {  	v18 =	vadd.s32 s9, v1;
	[tilespmem:s28+$0x9000] =	vst v17;
	v13 =	vld.idx.msk [tilespmem:v15+s20+$0x0], $0xffff  }
0x280: {  	v21 =	vadd.s32 s8, v1;
	[tilespmem:s4+$0xFFFFFFC0] =	vst v22;
	v17 =	vld.idx.msk [tilespmem:v24+s20+$0x0], $0xffff  }
0x281: {  	s9 =	sadd.s32 $0x200, s9;
	v14 =	vadd.s32 s1, v2;
	v15 =	vld.idx.msk [tilespmem:v26+s20+$0x0], $0xffff;
	[tilespmem:s10+$0xB000] =	vst v25  }
0x282: {  	_ =	sdelay $0x1  }
0x283: {  	[tilespmem:s30+$0x30] =	vst v16  }
0x284: {  	[tilespmem:s30+$0xFFFFFFB0] =	vst v12  }
0x285: {  	v10 =	vld.idx.msk [tilespmem:v10+s20+$0x0], $0xffff;
	[tilespmem:s21+$0x0] =	vst v11  }
0x286: {  	v60 =	vadd.s32 s25, v1;
	v63 =	vld.idx.msk [tilespmem:v20+s20+$0x0], $0xffff;
	[tilespmem:s21+$0x40] =	vst v19  }
0x287: {  	v59 =	vadd.s32 s26, v1;
	v14 =	vld.idx.msk [tilespmem:v14+s20+$0x0], $0xffff;
	[tilespmem:s29+$0xB000] =	vst v13  }
0x288: {  	v27 =	vadd.s32 s11, v6;
	v19 =	vld.idx.msk [tilespmem:v21+s20+$0x0], $0xffff;
	[tilespmem:s15+$0xB000] =	vst v17  }
0x289: {  	v22 =	vadd.s32 s8, v5;
	v21 =	vld.idx.msk [tilespmem:v18+s20+$0x0], $0xffff;
	[tilespmem:s28+$0xB000] =	vst v15  }
0x28a: {  	v23 =	vadd.s32 s24, v5;
	v9 =	vld.idx.msk [tilespmem:v9+s20+$0x0], $0xffff;
	[tilespmem:s21+$0xFFFFFFC0] =	vst v10  }
0x28b: {  	v28 =	vadd.s32 s7, v6;
	v11 =	vld.idx.msk [tilespmem:v60+s20+$0x0], $0xffff;
	[tilespmem:s12+$0x20] =	vst v63  }
0x28c: {  	s6 =	sor.u32 $0x50, s3;
	v24 =	vadd.s32 s25, v5;
	[tilespmem:s12+$0xFFFFFFA0] =	vst v14;
	v10 =	vld.idx.msk [tilespmem:v59+s20+$0x0], $0xffff  }
0x28d: {  	v25 =	vadd.s32 s1, v6;
	v16 =	vld.idx.msk [tilespmem:v27+s20+$0x0], $0xffff;
	[tilespmem:s6+$0x9000] =	vst v19  }
0x28e: {  	v62 =	vadd.s32 s26, v5;
	s30 =	sor.u32 $0x60, s0;
	[tilespmem:s2+$0xFFFFFF90] =	vst v21;
	v61 =	vld.idx.msk [tilespmem:v22+s20+$0x0], $0xffff  }
0x28f: {  	s4 =	sadd.s32 $0xFFFFFF80, s3;
	v35 =	vadd.s32 s11, v3;
	v12 =	vld.idx.msk [tilespmem:v23+s20+$0x0], $0xffff;
	[tilespmem:s30+$0x9000] =	vst v9  }
0x290: {  	s9 =	sor.u32 $0x50, s4;
	v22 =	vadd.s32 s13, v3;
	[tilespmem:s2+$0x10] =	vst v11;
	v34 =	vld.idx.msk [tilespmem:v28+s20+$0x0], $0xffff  }
0x291: {  	v29 =	vadd.s32 s8, v2;
	[tilespmem:s9+$0x9000] =	vst v10;
	v30 =	vld.idx.msk [tilespmem:v24+s20+$0x0], $0xffff  }
0x292: {  	v32 =	vadd.s32 s25, v2;
	v10 =	vld.idx.msk [tilespmem:v25+s20+$0x0], $0xffff;
	[tilespmem:s16+$0x20] =	vst v16  }
0x293: {  	v31 =	vadd.s32 s24, v2;
	v26 =	vld.idx.msk [tilespmem:v62+s20+$0x0], $0xffff;
	[tilespmem:s6+$0xB000] =	vst v61  }
0x294: {  	v42 =	vld.idx.msk [tilespmem:v35+s20+$0x0], $0xffff;
	[tilespmem:s21+$0xFFFFFF90] =	vst v12  }
0x295: {  	v44 =	vadd.s32 s7, v3;
	v18 =	vld.idx.msk [tilespmem:v22+s20+$0x0], $0xffff;
	[tilespmem:s30+$0xB000] =	vst v34  }
0x296: {  	v33 =	vadd.s32 s1, v3;
	v11 =	vld.idx.msk [tilespmem:v29+s20+$0x0], $0xffff;
	[tilespmem:s21+$0x10] =	vst v30  }
0x297: {  	v36 =	vadd.s32 s8, v6;
	[tilespmem:s16+$0xFFFFFFA0] =	vst v10;
	v38 =	vld.idx.msk [tilespmem:v32+s20+$0x0], $0xffff  }
0x298: {  	v40 =	vadd.s32 s25, v6;
	v37 =	vld.idx.msk [tilespmem:v31+s20+$0x0], $0xffff;
	[tilespmem:s9+$0xB000] =	vst v26  }
0x299: {  	s31 =	sor.u32 $0x70, s31;
	v39 =	vadd.s32 s24, v6;
	[tilespmem:s12+$0x30] =	vst v42;
	v8 =	vld.idx.msk [tilespmem:v8+s20+$0x0], $0xffff  }
0x29a: {  	s14 =	sor.u32 $0x60, s3;
	v43 =	vadd.s32 s26, v6;
	v51 =	vld.idx.msk [tilespmem:v44+s20+$0x0], $0xffff;
	[tilespmem:s31+$0x9000] =	vst v18  }
0x29b: {  	v50 =	vadd.s32 s11, v7;
	v9 =	vld.idx.msk [tilespmem:v33+s20+$0x0], $0xffff;
	[tilespmem:s14+$0x9000] =	vst v11  }
0x29c: {  	v41 =	vadd.s32 s13, v7;
	v12 =	vld.idx.msk [tilespmem:v36+s20+$0x0], $0xffff;
	[tilespmem:s2+$0x20] =	vst v38  }
0x29d: {  	v45 =	vadd.s32 s8, v3;
	s10 =	sor.u32 $0x60, s4;
	[tilespmem:s2+$0xFFFFFFA0] =	vst v37;
	v47 =	vld.idx.msk [tilespmem:v40+s20+$0x0], $0xffff  }
0x29e: {  	s15 =	sor.u32 $0x70, s0;
	v46 =	vld.idx.msk [tilespmem:v39+s20+$0x0], $0xffff;
	[tilespmem:s10+$0x9000] =	vst v8;
	v8 =	vadd.s32 s25, v3  }
0x29f: {  	v48 =	vadd.s32 s24, v3;
	[tilespmem:s15+$0x9000] =	vst v51;
	v11 =	vld.idx.msk [tilespmem:v43+s20+$0x0], $0xffff  }
0x2a0: {  	v52 =	vadd.s32 s26, v3;
	v58 =	vld.idx.msk [tilespmem:v50+s20+$0x0], $0xffff;
	[tilespmem:s12+$0xFFFFFFB0] =	vst v9  }
0x2a1: {  	v54 =	vadd.s32 s7, v7;
	v49 =	vld.idx.msk [tilespmem:v41+s20+$0x0], $0xffff;
	[tilespmem:s14+$0xB000] =	vst v12  }
0x2a2: {  	v53 =	vadd.s32 s1, v7;
	v14 =	vld.idx.msk [tilespmem:v45+s20+$0x0], $0xffff;
	[tilespmem:s21+$0x20] =	vst v47  }
0x2a3: {  	v56 =	vadd.s32 s8, v7;
	[tilespmem:s21+$0xFFFFFFA0] =	vst v46;
	v8 =	vld.idx.msk [tilespmem:v8+s20+$0x0], $0xffff  }
0x2a4: {  	v57 =	vadd.s32 s25, v7;
	v55 =	vld.idx.msk [tilespmem:v48+s20+$0x0], $0xffff;
	[tilespmem:s10+$0xB000] =	vst v11  }
0x2a5: {  	v59 =	vadd.s32 s24, v7;
	[tilespmem:s16+$0x30] =	vst v58;
	v60 =	vld.idx.msk [tilespmem:v52+s20+$0x0], $0xffff  }
0x2a6: {  	s17 =	sor.u32 $0x70, s3;
	v61 =	vadd.s32 s26, v7;
	v10 =	vld.idx.msk [tilespmem:v54+s20+$0x0], $0xffff;
	[tilespmem:s31+$0xB000] =	vst v49  }
0x2a7: {  	v18 =	vld.idx.msk [tilespmem:v53+s20+$0x0], $0xffff;
	[tilespmem:s17+$0x9000] =	vst v14  }
0x2a8: {  	[tilespmem:s2+$0x30] =	vst v8;
	v8 =	vld.idx.msk [tilespmem:v56+s20+$0x0], $0xffff  }
0x2a9: {  	s22 =	sor.u32 $0x70, s4;
	[tilespmem:s2+$0xFFFFFFB0] =	vst v55;
	v62 =	vld.idx.msk [tilespmem:v57+s20+$0x0], $0xffff  }
0x2aa: {  	v63 =	vld.idx.msk [tilespmem:v59+s20+$0x0], $0xffff;
	[tilespmem:s22+$0x9000] =	vst v60  }
0x2ab: {  	[tilespmem:s15+$0xB000] =	vst v10;
	v12 =	vld.idx.msk [tilespmem:v61+s20+$0x0], $0xffff  }
0x2ac: {  	[tilespmem:s16+$0xFFFFFFB0] =	vst v18  }
0x2ad: {  	s0 =	rddreg [dreg:$0x10];
	[tilespmem:s17+$0xB000] =	vst v8  }
0x2ae: {  	s1 =	rddreg [dreg:$0x11];
	[tilespmem:s21+$0x30] =	vst v62  }
0x2af: {  	[tilespmem:s21+$0xFFFFFFB0] =	vst v63  }
0x2b0: {  	s23 =	rddreg [dreg:$0x12];
	[tilespmem:s22+$0xB000] =	vst v12  }
0x2b1: {  	s0 =	sshll.u32 s0, $0xC;
	s31 =	rddreg [dreg:$0xf]  }
0x2b2: {  	s29 =	rddreg [dreg:$0x3];
	s0 =	sand.u32 $0x7F000, s0;
	s2 =	sadd.s32 $0x1, s31  }
0x2b3: {  	s28 =	simm.s32 $0x9000;
	s0 =	sor.u32 s0, s1;
	p0 =	sne.s32 s2, $0x40  }
.Ltmp7:
0x2b4: {  	s24 =	rddreg [dreg:$0x2];
	s0 =	sor.u32 s23, s0;
	(pc) =	sbr.rel @p0 .LBB2_2-.Ltmp7, $4  }
0x2b5: {  	s26 =	simm.s32 $0x400;
	s25 =	simm.s32 $0x80;
	s1 =	sadd.s32 s24, s0  }
0x2b6: {  	[hbm4b:s1+s25] =	stream.strided.scatter [tilespmem:s28], [sflag:$0x6], $0x1000, s26, s25, $0x38;
	[tilespmem:$0xC100] =	vst v63  }
0x2b7: {  	s30 =	simm.s32 $0xB000;
	s0 =	sadd.s32 s29, s0  }
0x2b8: {  	[hbm4b:s0+s25] =	stream.strided.scatter [tilespmem:s30], [sflag:$0x8], $0x1000, s26, s25, $0x38;
	[tilespmem:$0xC100] =	vst v63  }
0x2b9: {  	s0 =	simm.s32 $0x5  }
0x2ba: {  	_ =	swait.ge [sflag:s0], $0x1000  }
0x2bb: {  	[sflag:s0] =	ssyncset.done $0x0  }
0x2bc: {  	s29 =	simm.s32 $0x7;
	[sflag:s0] =	ssyncadd.s32 $0xFFFFF000  }
0x2bd: {  	_ =	swait.ge [sflag:s29], $0x1000  }
0x2be: {  	[sflag:s29] =	ssyncset.done $0x0  }
0x2bf: {  	s30 =	simm.s32 $0x6;
	[sflag:s29] =	ssyncadd.s32 $0xFFFFF000  }
0x2c0: {  	_ =	swait.ge [sflag:s30], $0x1000  }
0x2c1: {  	[sflag:s30] =	ssyncset.done $0x0  }
0x2c2: {  	s1 =	simm.s32 $0x8;
	[sflag:s30] =	ssyncadd.s32 $0xFFFFF000  }
0x2c3: {  	_ =	swait.ge [sflag:s1], $0x1000  }
0x2c4: {  	s2 =	rddreg [dreg:$0xe]  }
0x2c5: {  	s31 =	rddreg [dreg:$0xd];
	s2 =	sadd.s32 $0x1, s2  }
0x2c6: {  	p0 =	sne.s32 s2, s31  }
.Ltmp8:
0x2c7: {  	_ = 	snop;
	(pc) =	sbr.rel @p0 .LBB2_1-.Ltmp8, $3  }
0x2c8: {  	_ =	sdelay $0x1  }
0x2c9: {  	[sflag:s1] =	ssyncset.done $0x0  }
0x2ca: {  	[sflag:s1] =	ssyncadd.s32 $0xFFFFF000  }
0x2cb: {  	_ =	sfence.sel $0x180000  }
0x2cc: {  	[bflag:$0x0] =	sbarrier.arrive $0xFFFF  }
0x2cd: {  	_ =	strace $0x90000047  }
0x2ce: {  	s0 =	stileid.u32;
	[bflag:$0x2] =	sbarrier.arrive $0xFFFF  }
0x2cf: {  	p0 =	sne.s32 s0, $0x0;
	s0 =	rddreg [dreg:$0x4]  }
0x2d0: {  	s0 =	sadd.s32 @!p0 $0x100000, s0  }
0x2d1: {  	[sflag:s0] =	ssyncadd.tile.s32 @!p0 $0x1;
	_ =	shalt  }
.Lfunc_end2:
_tile_overlayer_lowered:
.L_overlay_start_2:
0x2d2: {  	(tag) =	ssettag $0x2  }
0x2d3: {  	s0 =	rddreg [dreg:$0x0];
	s2 =	stileid.u32  }
0x2d4: {  	s1 =	rddreg [dreg:$0x1];
	p0 =	sne.s32 s2, $0x0  }
0x2d5: {  	s3 =	rddreg [dreg:$0x2];
	[bflag:$0x3] =	sbarrier.arrive $0xFFFF;
	s2 =	simm.s32 @!p0 $0x1C09  }
0x2d6: {  	[timem:s3], [sflag:s2] =	dma.local @!p0 [hbm:s0], s1  }
0x2d7: {  	s0 =	simm.s32 @!p0 $0x9  }
0x2d8: {  	_ =	swait.ge @!p0 [sflag:s0], s1  }
0x2d9: {  	s1 =	ssub.s32 @!p0 $0x0, s1;
	[sflag:s0] =	ssyncset.done @!p0 $0x0  }
0x2da: {  	[sflag:s0] =	ssyncadd.s32 @!p0 s1  }
0x2db: {  	[bflag:$0x3] =	sbarrier.arrive $0xFFFF  }
0x2dc: {  	_ =	shalt  }

</sc_bundles>
